<compile_context>
chip_gen: v7x
topology: tpu7x:2x2x1
jax: 0.10.2.dev20260603
libtpu: 0.0.44.dev20260713+nightly
codegen_flags: <defaults>
</compile_context>

<pallas_src>
import functools

import jax
import jax.numpy as jnp
import numpy as np
from jax import lax
from jax.experimental import pallas as pl
from jax.experimental.pallas import tpu as pltpu
from jax.experimental.pallas import tpu_sc as plsc

_L = 512
_K = 32
_INT_MIN = np.int32(-(2**31))
_SC_CORES = 2
_SC_SUBCORES = 16



def _topk_body(r, rowbase, k_ref, gm_ref, tw_ref, km_ref, oflat_ref, ow_ref):
    gm = gm_ref[...]
    tw = tw_ref[...]
    km = km_ref[...]
    kk = k_ref[0]

    gs = jnp.sum(gm, axis=-1, keepdims=True)
    need = (gs < kk).astype(jnp.int32)
    keep = (gm + km * need) > 0

    bi = lax.bitcast_convert_type(tw, jnp.int32)
    key = jnp.where(bi >= 0, bi, _INT_MIN - bi)
    key = jnp.where(keep, key, _INT_MIN)

    idx = lax.broadcasted_iota(jnp.int32, key.shape, 1)
    rowflat = (rowbase + pl.program_id(0) * r +
               lax.broadcasted_iota(jnp.int32, (r, 1), 0)) * _L

    for t in range(_K):
        m = jnp.max(key, axis=-1, keepdims=True)
        cand = jnp.where(key == m, idx, jnp.int32(_L))
        j = jnp.min(cand, axis=-1, keepdims=True)
        oflat_ref[:, t : t + 1] = rowflat + j
        wb = jnp.where(m >= 0, m, _INT_MIN - m)
        ow_ref[:, t : t + 1] = lax.bitcast_convert_type(wb, jnp.float32)
        key = jnp.where(idx == j, _INT_MIN, key)

    v = ow_ref[...]
    mx = jnp.max(v, axis=-1, keepdims=True)
    e = jnp.exp(v - mx)
    ow_ref[...] = e / jnp.sum(e, axis=-1, keepdims=True)


def _topk_call(gate_mask, token_weight, keep_k_modifier, karr, rowbase=0):
    b, l = gate_mask.shape
    r = min(1024, b)
    row_spec = pl.BlockSpec((r, l), lambda i: (i, 0))
    km_spec = pl.BlockSpec((1, l), lambda i: (0, 0))
    out_spec = pl.BlockSpec((r, _K), lambda i: (i, 0))
    return pl.pallas_call(
        functools.partial(_topk_body, r, rowbase),
        grid=(b // r,),
        in_specs=[
            pl.BlockSpec(memory_space=pltpu.SMEM),
            row_spec, row_spec, km_spec,
        ],
        out_specs=[out_spec, out_spec],
        out_shape=[
            jax.ShapeDtypeStruct((b, _K), jnp.int32),
            jax.ShapeDtypeStruct((b, _K), jnp.float32),
        ],
        compiler_params=pltpu.CompilerParams(
            dimension_semantics=("parallel",),
        ),
    )(karr, gate_mask, token_weight, keep_k_modifier)



def _make_sc_gather(n_total, nw):
    per_w = n_total // nw
    mesh = plsc.VectorSubcoreMesh(
        core_axis_name="c", subcore_axis_name="s",
        num_cores=_SC_CORES, num_subcores=_SC_SUBCORES)
    nc = mesh.num_cores

    @functools.partial(
        pl.kernel,
        out_type=[
            jax.ShapeDtypeStruct((nw, per_w), jnp.int32),
            jax.ShapeDtypeStruct((nw, per_w), jnp.int32),
        ],
        mesh=mesh,
        scratch_types=[
            pltpu.VMEM((per_w,), jnp.int32),
            pltpu.VMEM((per_w,), jnp.int32),
            pltpu.VMEM((per_w,), jnp.int32),
            pltpu.SemaphoreType.DMA,
        ],
    )
    def sc_gather(tok_hbm, am_hbm, idx_hbm, otok_hbm, oam_hbm,
                  idx_v, tok_v, am_v, sem):
        wid = lax.axis_index("s") * nc + lax.axis_index("c")
        pltpu.sync_copy(idx_hbm.at[wid], idx_v)
        cp_tok = pltpu.async_copy(tok_hbm.at[idx_v], tok_v, sem)
        cp_am = pltpu.async_copy(am_hbm.at[idx_v], am_v, sem)
        cp_tok.wait()
        cp_am.wait()
        pltpu.sync_copy(tok_v, otok_hbm.at[wid])
        pltpu.sync_copy(am_v, oam_hbm.at[wid])

    return sc_gather



def kernel(token_id, attn_mask, gate_mask, token_weight, keep_k_modifier, k):
    b, l = token_id.shape
    assert l == _L
    karr = jnp.asarray(k, jnp.int32).reshape(1)

    nw = 32
    tok_flat = token_id.reshape(b * l)
    am_flat = attn_mask.reshape(b * l)

    oflat, ow = _topk_call(gate_mask, token_weight, keep_k_modifier, karr)
    idx2 = oflat.reshape(nw, b * _K // nw)
    otok, oam = _make_sc_gather(b * _K, nw)(tok_flat, am_flat, idx2)
    return (otok.reshape(b, _K), oam.reshape(b, _K), ow)

# --- scband reference (transcript-rebuilt; emitter-appended) ---
"""Pipeline reference for scband-base-model-44272522887178 (READ-ONLY COPY).

The authoritative reference and input builder live on the scoring server;
editing this copy changes nothing except your own understanding.
"""

import jax, jax.numpy as jnp
import numpy as np

B, L, K = 16384, 512, 32
VOCAB = 30522


def setup_inputs(seed: int = 0) -> dict:
    key = jax.random.key(seed)
    k1, k2, k3, k4 = jax.random.split(key, 4)
    token_id = jax.random.randint(k1, (B, L), 0, VOCAB, dtype=jnp.int32)
    attn_mask = jax.random.randint(k2, (B, L), 0, 2, dtype=jnp.int32)
    gate_mask = jax.random.randint(k3, (B, L), 0, 2, dtype=jnp.int32)
    token_weight = jax.random.normal(k4, (B, L), dtype=jnp.float32)
    # buffer that force-keeps the first k positions when too few tokens survive the gate
    keep_k_modifier = jnp.zeros((1, L), dtype=jnp.int32).at[:, :K].set(1)
    return {
        "token_id": token_id,
        "attn_mask": attn_mask,
        "gate_mask": gate_mask,
        "token_weight": token_weight,
        "keep_k_modifier": keep_k_modifier,
        "k": K,
    }


def reference(token_id, attn_mask, gate_mask, token_weight, keep_k_modifier, k):
    # _compute_gate with gate_mask is not None
    need_modifier = (jnp.sum(gate_mask, axis=-1, keepdims=True) < k).astype(gate_mask.dtype)
    km = keep_k_modifier * need_modifier
    pad_pos = jnp.logical_not((gate_mask + km).astype(bool))
    tw = jnp.where(pad_pos, -jnp.inf, token_weight)
    gated_token_weight, gated_token_idx = jax.lax.top_k(tw, K)
    gated_token_weight = jax.nn.softmax(gated_token_weight, axis=-1)
    gated_token_id = jnp.take_along_axis(token_id, gated_token_idx, axis=-1)
    gated_attn_mask = jnp.take_along_axis(attn_mask, gated_token_idx, axis=-1)
    return (gated_token_id, gated_attn_mask, gated_token_weight)

if __name__ == "__main__":
    import jax
    _d = setup_inputs()
    print(jax.jit(kernel)(*tuple(_d.values())))

</pallas_src>

<mosaic_0001>
#map = affine_map<(d0, d1) -> (0)>
#map1 = affine_map<(d0, d1) -> (0, 0)>
module attributes {stable_mosaic.version = 14 : i64} {
  func.func @sc_gather(%arg0: i32, %arg1: i32, %arg2: memref<8388608xi32, #tpu.memory_space<hbm>>, %arg3: memref<8388608xi32, #tpu.memory_space<hbm>>, %arg4: memref<32x16384xi32, #tpu.memory_space<hbm>>, %arg5: memref<32x16384xi32, #tpu.memory_space<hbm>>, %arg6: memref<32x16384xi32, #tpu.memory_space<hbm>>, %arg7: memref<16384xi32, #tpu.memory_space<vmem>>, %arg8: memref<16384xi32, #tpu.memory_space<vmem>>, %arg9: memref<16384xi32, #tpu.memory_space<vmem>>, %arg10: memref<!tpu.dma_semaphore, #tpu.memory_space<semaphore_mem>>) attributes {dimension_semantics = [#tpu.dimension_semantics<core_parallel>, #tpu.dimension_semantics<subcore_parallel>], iteration_bounds = array<i64: 2, 16>, scalar_prefetch = 0 : i64, scratch_operands = 4 : i64, tpu.core_type = #tpu.core_type<sc_vector_subcore>, window_params = [{transform_indices = #map}, {transform_indices = #map}, {transform_indices = #map1}, {transform_indices = #map1}, {transform_indices = #map1}]} {
    %mul3A = arith.constant 2 : i32
    %mul3A_0 = arith.muli %arg1, %mul3A : i32
    %add3A = arith.addi %mul3A_0, %arg0 : i32
    "tpu.region"() ({
      %run_scoped3A = tpu.sem_alloc : memref<!tpu.dma_semaphore, #tpu.memory_space<semaphore_mem>>
      %dma_start3A_7 = arith.constant 0 : i32
      %dma_start3A_8 = tpu.memref_slice %arg4[%add3A, %dma_start3A_7] : memref<32x16384xi32, #tpu.memory_space<hbm>> -> memref<1x16384xi32, #tpu.memory_space<hbm>>
      %dma_start3A_9 = tpu.memref_squeeze %dma_start3A_8 : memref<1x16384xi32, #tpu.memory_space<hbm>> -> memref<16384xi32, #tpu.memory_space<hbm>>
      %dma_start3A_10 = arith.constant 0 : i32
      %dma_start3A_11 = tpu.memref_slice %arg4[%add3A, %dma_start3A_10] : memref<32x16384xi32, #tpu.memory_space<hbm>> -> memref<1x16384xi32, #tpu.memory_space<hbm>>
      %dma_start3A_12 = tpu.memref_squeeze %dma_start3A_11 : memref<1x16384xi32, #tpu.memory_space<hbm>> -> memref<16384xi32, #tpu.memory_space<hbm>>
      tpu.enqueue_dma source(%dma_start3A_12 : memref<16384xi32, #tpu.memory_space<hbm>>) target(%arg7 : memref<16384xi32, #tpu.memory_space<vmem>>) target_semaphore(%run_scoped3A : memref<!tpu.dma_semaphore, #tpu.memory_space<semaphore_mem>>)
      %dma_wait3A_13 = arith.constant 0 : i32
      %dma_wait3A_14 = tpu.memref_slice %arg4[%add3A, %dma_wait3A_13] : memref<32x16384xi32, #tpu.memory_space<hbm>> -> memref<1x16384xi32, #tpu.memory_space<hbm>>
      %dma_wait3A_15 = tpu.memref_squeeze %dma_wait3A_14 : memref<1x16384xi32, #tpu.memory_space<hbm>> -> memref<16384xi32, #tpu.memory_space<hbm>>
      %dma_wait3A_16 = arith.constant 0 : i32
      %dma_wait3A_17 = tpu.memref_slice %arg4[%add3A, %dma_wait3A_16] : memref<32x16384xi32, #tpu.memory_space<hbm>> -> memref<1x16384xi32, #tpu.memory_space<hbm>>
      %dma_wait3A_18 = tpu.memref_squeeze %dma_wait3A_17 : memref<1x16384xi32, #tpu.memory_space<hbm>> -> memref<16384xi32, #tpu.memory_space<hbm>>
      tpu.wait_dma2 semaphore(%run_scoped3A : memref<!tpu.dma_semaphore, #tpu.memory_space<semaphore_mem>>) src(%dma_wait3A_18 : memref<16384xi32, #tpu.memory_space<hbm>>) dst(%arg7 : memref<16384xi32, #tpu.memory_space<vmem>>)
      tpu.yield
    }) : () -> ()
    %dma_start3A = arith.constant 0 : i32
    %dma_start3A_1 = tpu.memref_slice %arg2[%dma_start3A] : memref<8388608xi32, #tpu.memory_space<hbm>> -> memref<8388608xi32, #tpu.memory_space<hbm>>
    tpu.enqueue_indirect_dma source(%dma_start3A_1 : memref<8388608xi32, #tpu.memory_space<hbm>>) target(%arg8 : memref<16384xi32, #tpu.memory_space<vmem>>) offsets(%arg7 : memref<16384xi32, #tpu.memory_space<vmem>>) semaphore(%arg10 : memref<!tpu.dma_semaphore, #tpu.memory_space<semaphore_mem>>)
    %dma_start3A_2 = arith.constant 0 : i32
    %dma_start3A_3 = tpu.memref_slice %arg3[%dma_start3A_2] : memref<8388608xi32, #tpu.memory_space<hbm>> -> memref<8388608xi32, #tpu.memory_space<hbm>>
    tpu.enqueue_indirect_dma source(%dma_start3A_3 : memref<8388608xi32, #tpu.memory_space<hbm>>) target(%arg9 : memref<16384xi32, #tpu.memory_space<vmem>>) offsets(%arg7 : memref<16384xi32, #tpu.memory_space<vmem>>) semaphore(%arg10 : memref<!tpu.dma_semaphore, #tpu.memory_space<semaphore_mem>>)
    %dma_wait3A = arith.constant 0 : i32
    %dma_wait3A_4 = tpu.memref_slice %arg2[%dma_wait3A] : memref<8388608xi32, #tpu.memory_space<hbm>> -> memref<8388608xi32, #tpu.memory_space<hbm>>
    tpu.wait_indirect_dma semaphore(%arg10 : memref<!tpu.dma_semaphore, #tpu.memory_space<semaphore_mem>>) src(%dma_wait3A_4 : memref<8388608xi32, #tpu.memory_space<hbm>>) dst(%arg8 : memref<16384xi32, #tpu.memory_space<vmem>>)
    %dma_wait3A_5 = arith.constant 0 : i32
    %dma_wait3A_6 = tpu.memref_slice %arg3[%dma_wait3A_5] : memref<8388608xi32, #tpu.memory_space<hbm>> -> memref<8388608xi32, #tpu.memory_space<hbm>>
    tpu.wait_indirect_dma semaphore(%arg10 : memref<!tpu.dma_semaphore, #tpu.memory_space<semaphore_mem>>) src(%dma_wait3A_6 : memref<8388608xi32, #tpu.memory_space<hbm>>) dst(%arg9 : memref<16384xi32, #tpu.memory_space<vmem>>)
    "tpu.region"() ({
      %run_scoped3A = tpu.sem_alloc : memref<!tpu.dma_semaphore, #tpu.memory_space<semaphore_mem>>
      %dma_start3A_7 = arith.constant 0 : i32
      %dma_start3A_8 = tpu.memref_slice %arg5[%add3A, %dma_start3A_7] : memref<32x16384xi32, #tpu.memory_space<hbm>> -> memref<1x16384xi32, #tpu.memory_space<hbm>>
      %dma_start3A_9 = tpu.memref_squeeze %dma_start3A_8 : memref<1x16384xi32, #tpu.memory_space<hbm>> -> memref<16384xi32, #tpu.memory_space<hbm>>
      %dma_start3A_10 = arith.constant 0 : i32
      %dma_start3A_11 = tpu.memref_slice %arg5[%add3A, %dma_start3A_10] : memref<32x16384xi32, #tpu.memory_space<hbm>> -> memref<1x16384xi32, #tpu.memory_space<hbm>>
      %dma_start3A_12 = tpu.memref_squeeze %dma_start3A_11 : memref<1x16384xi32, #tpu.memory_space<hbm>> -> memref<16384xi32, #tpu.memory_space<hbm>>
      tpu.enqueue_dma source(%arg8 : memref<16384xi32, #tpu.memory_space<vmem>>) target(%dma_start3A_12 : memref<16384xi32, #tpu.memory_space<hbm>>) target_semaphore(%run_scoped3A : memref<!tpu.dma_semaphore, #tpu.memory_space<semaphore_mem>>)
      %dma_wait3A_13 = arith.constant 0 : i32
      %dma_wait3A_14 = tpu.memref_slice %arg5[%add3A, %dma_wait3A_13] : memref<32x16384xi32, #tpu.memory_space<hbm>> -> memref<1x16384xi32, #tpu.memory_space<hbm>>
      %dma_wait3A_15 = tpu.memref_squeeze %dma_wait3A_14 : memref<1x16384xi32, #tpu.memory_space<hbm>> -> memref<16384xi32, #tpu.memory_space<hbm>>
      %dma_wait3A_16 = arith.constant 0 : i32
      %dma_wait3A_17 = tpu.memref_slice %arg5[%add3A, %dma_wait3A_16] : memref<32x16384xi32, #tpu.memory_space<hbm>> -> memref<1x16384xi32, #tpu.memory_space<hbm>>
      %dma_wait3A_18 = tpu.memref_squeeze %dma_wait3A_17 : memref<1x16384xi32, #tpu.memory_space<hbm>> -> memref<16384xi32, #tpu.memory_space<hbm>>
      tpu.wait_dma2 semaphore(%run_scoped3A : memref<!tpu.dma_semaphore, #tpu.memory_space<semaphore_mem>>) src(%arg8 : memref<16384xi32, #tpu.memory_space<vmem>>) dst(%dma_wait3A_18 : memref<16384xi32, #tpu.memory_space<hbm>>)
      tpu.yield
    }) : () -> ()
    "tpu.region"() ({
      %run_scoped3A = tpu.sem_alloc : memref<!tpu.dma_semaphore, #tpu.memory_space<semaphore_mem>>
      %dma_start3A_7 = arith.constant 0 : i32
      %dma_start3A_8 = tpu.memref_slice %arg6[%add3A, %dma_start3A_7] : memref<32x16384xi32, #tpu.memory_space<hbm>> -> memref<1x16384xi32, #tpu.memory_space<hbm>>
      %dma_start3A_9 = tpu.memref_squeeze %dma_start3A_8 : memref<1x16384xi32, #tpu.memory_space<hbm>> -> memref<16384xi32, #tpu.memory_space<hbm>>
      %dma_start3A_10 = arith.constant 0 : i32
      %dma_start3A_11 = tpu.memref_slice %arg6[%add3A, %dma_start3A_10] : memref<32x16384xi32, #tpu.memory_space<hbm>> -> memref<1x16384xi32, #tpu.memory_space<hbm>>
      %dma_start3A_12 = tpu.memref_squeeze %dma_start3A_11 : memref<1x16384xi32, #tpu.memory_space<hbm>> -> memref<16384xi32, #tpu.memory_space<hbm>>
      tpu.enqueue_dma source(%arg9 : memref<16384xi32, #tpu.memory_space<vmem>>) target(%dma_start3A_12 : memref<16384xi32, #tpu.memory_space<hbm>>) target_semaphore(%run_scoped3A : memref<!tpu.dma_semaphore, #tpu.memory_space<semaphore_mem>>)
      %dma_wait3A_13 = arith.constant 0 : i32
      %dma_wait3A_14 = tpu.memref_slice %arg6[%add3A, %dma_wait3A_13] : memref<32x16384xi32, #tpu.memory_space<hbm>> -> memref<1x16384xi32, #tpu.memory_space<hbm>>
      %dma_wait3A_15 = tpu.memref_squeeze %dma_wait3A_14 : memref<1x16384xi32, #tpu.memory_space<hbm>> -> memref<16384xi32, #tpu.memory_space<hbm>>
      %dma_wait3A_16 = arith.constant 0 : i32
      %dma_wait3A_17 = tpu.memref_slice %arg6[%add3A, %dma_wait3A_16] : memref<32x16384xi32, #tpu.memory_space<hbm>> -> memref<1x16384xi32, #tpu.memory_space<hbm>>
      %dma_wait3A_18 = tpu.memref_squeeze %dma_wait3A_17 : memref<1x16384xi32, #tpu.memory_space<hbm>> -> memref<16384xi32, #tpu.memory_space<hbm>>
      tpu.wait_dma2 semaphore(%run_scoped3A : memref<!tpu.dma_semaphore, #tpu.memory_space<semaphore_mem>>) src(%arg9 : memref<16384xi32, #tpu.memory_space<vmem>>) dst(%dma_wait3A_18 : memref<16384xi32, #tpu.memory_space<hbm>>)
      tpu.yield
    }) : () -> ()
    return
  }
}

module attributes {stable_mosaic.version = 14 : i64} {
  func.func @_topk_body(%arg0: i32, %arg1: memref<1xi32, #tpu.memory_space<smem>>, %arg2: memref<1024x512xi32, #tpu.memory_space<vmem>>, %arg3: memref<1024x512xf32, #tpu.memory_space<vmem>>, %arg4: memref<1x512xi32, #tpu.memory_space<vmem>>, %arg5: memref<1024x32xi32, #tpu.memory_space<vmem>>, %arg6: memref<1024x32xf32, #tpu.memory_space<vmem>>) attributes {dimension_semantics = [#tpu.dimension_semantics<parallel>], iteration_bounds = array<i64: 16>, scalar_prefetch = 0 : i64, scratch_operands = 0 : i64, tpu.core_type = #tpu.core_type<tc>, window_params = [{transform_indices = @transform_0, window_bounds = array<i64: 1>}, {transform_indices = @transform_1, window_bounds = array<i64: 1024, 512>}, {transform_indices = @transform_2, window_bounds = array<i64: 1024, 512>}, {pipeline_mode = #tpu.pipeline_mode<synchronous>, transform_indices = @transform_3, window_bounds = array<i64: 1, 512>}, {transform_indices = @transform_4, window_bounds = array<i64: 1024, 32>}, {transform_indices = @transform_5, window_bounds = array<i64: 1024, 32>}]} {
    %get3A = arith.constant 0 : index
    %get3A_0 = arith.constant 0 : index
    %get3A_1 = vector.load %arg2[%get3A, %get3A_0] : memref<1024x512xi32, #tpu.memory_space<vmem>>, vector<1024x512xi32>
    %get3A_2 = arith.constant 0 : index
    %get3A_3 = arith.constant 0 : index
    %get3A_4 = vector.load %arg3[%get3A_2, %get3A_3] : memref<1024x512xf32, #tpu.memory_space<vmem>>, vector<1024x512xf32>
    %get3A_5 = arith.constant 0 : index
    %get3A_6 = arith.constant 0 : index
    %get3A_7 = vector.load %arg4[%get3A_5, %get3A_6] : memref<1x512xi32, #tpu.memory_space<vmem>>, vector<1x512xi32>
    %get3A_8 = arith.constant 0 : index
    %get3A_9 = memref.load %arg1[%get3A_8] : memref<1xi32, #tpu.memory_space<smem>>
    %reduce_sum3A = arith.constant dense<0> : vector<1024xi32>
    %reduce_sum3A_10 = vector.multi_reduction <add>, %get3A_1, %reduce_sum3A [1] : vector<1024x512xi32> to vector<1024xi32>
    %broadcast_in_dim3A = vector.shape_cast %reduce_sum3A_10 : vector<1024xi32> to vector<1024x1xi32>
    %lt3A = vector.broadcast %get3A_9 : i32 to vector<1024x1xi32>
    %lt3A_11 = arith.cmpi slt, %broadcast_in_dim3A, %lt3A : vector<1024x1xi32>
    %convert_element_type3A = arith.extui %lt3A_11 : vector<1024x1xi1> to vector<1024x1xi32>
    %mul3A = vector.broadcast %get3A_7 : vector<1x512xi32> to vector<1024x512xi32>
    %mul3A_12 = vector.broadcast %convert_element_type3A : vector<1024x1xi32> to vector<1024x512xi32>
    %mul3A_13 = arith.muli %mul3A, %mul3A_12 : vector<1024x512xi32>
    %add3A = arith.addi %get3A_1, %mul3A_13 : vector<1024x512xi32>
    %gt3A = arith.constant 0 : i32
    %gt3A_14 = vector.broadcast %gt3A : i32 to vector<1024x512xi32>
    %gt3A_15 = arith.cmpi sgt, %add3A, %gt3A_14 : vector<1024x512xi32>
    %bitcast_convert_type3A = tpu.bitcast %get3A_4 : vector<1024x512xf32> -> vector<1024x512xi32>
    %ge3A = arith.constant 0 : i32
    %ge3A_16 = vector.broadcast %ge3A : i32 to vector<1024x512xi32>
    %ge3A_17 = arith.cmpi sge, %bitcast_convert_type3A, %ge3A_16 : vector<1024x512xi32>
    %sub3A = arith.constant -2147483648 : i32
    %sub3A_18 = vector.broadcast %sub3A : i32 to vector<1024x512xi32>
    %sub3A_19 = arith.subi %sub3A_18, %bitcast_convert_type3A : vector<1024x512xi32>
    %select_n3A = arith.select %ge3A_17, %bitcast_convert_type3A, %sub3A_19 : vector<1024x512xi1>, vector<1024x512xi32>
    %jit3A = arith.constant -2147483648 : i32
    %broadcast_in_dim3A_20 = vector.broadcast %jit3A : i32 to vector<1024x512xi32>
    %select_n3A_21 = arith.select %gt3A_15, %select_n3A, %broadcast_in_dim3A_20 : vector<1024x512xi1>, vector<1024x512xi32>
    %iota3A = tpu.iota {dimensions = array<i32: 1>} : vector<1024x512xi32>
    %mul3A_22 = arith.constant 1024 : i32
    %mul3A_23 = arith.muli %arg0, %mul3A_22 : i32
    %add3A_24 = arith.constant 0 : i32
    %add3A_25 = arith.addi %add3A_24, %mul3A_23 : i32
    %iota3A_26 = tpu.iota {dimensions = array<i32: 0>} : vector<1024x1xi32>
    %add3A_27 = vector.broadcast %add3A_25 : i32 to vector<1024x1xi32>
    %add3A_28 = arith.addi %add3A_27, %iota3A_26 : vector<1024x1xi32>
    %mul3A_29 = arith.constant 512 : i32
    %mul3A_30 = vector.broadcast %mul3A_29 : i32 to vector<1024x1xi32>
    %mul3A_31 = arith.muli %add3A_28, %mul3A_30 : vector<1024x1xi32>
    %reduce_max3A = arith.constant dense<-2147483648> : vector<1024xi32>
    %reduce_max3A_32 = vector.multi_reduction <maxsi>, %select_n3A_21, %reduce_max3A [1] : vector<1024x512xi32> to vector<1024xi32>
    %broadcast_in_dim3A_33 = vector.shape_cast %reduce_max3A_32 : vector<1024xi32> to vector<1024x1xi32>
    %eq3A = vector.broadcast %broadcast_in_dim3A_33 : vector<1024x1xi32> to vector<1024x512xi32>
    %eq3A_34 = arith.cmpi eq, %select_n3A_21, %eq3A : vector<1024x512xi32>
    %jit3A_35 = arith.constant 512 : i32
    %broadcast_in_dim3A_36 = vector.broadcast %jit3A_35 : i32 to vector<1024x512xi32>
    %select_n3A_37 = arith.select %eq3A_34, %iota3A, %broadcast_in_dim3A_36 : vector<1024x512xi1>, vector<1024x512xi32>
    %reduce_min3A = arith.constant dense<2147483647> : vector<1024xi32>
    %reduce_min3A_38 = vector.multi_reduction <minsi>, %select_n3A_37, %reduce_min3A [1] : vector<1024x512xi32> to vector<1024xi32>
    %broadcast_in_dim3A_39 = vector.shape_cast %reduce_min3A_38 : vector<1024xi32> to vector<1024x1xi32>
    %add3A_40 = arith.addi %mul3A_31, %broadcast_in_dim3A_39 : vector<1024x1xi32>
    %swap3A = arith.constant 0 : index
    %swap3A_41 = arith.constant 0 : index
    %swap3A_42 = vector.load %arg5[%swap3A, %swap3A_41] : memref<1024x32xi32, #tpu.memory_space<vmem>>, vector<1024x1xi32>
    tpu.vector_store %arg5[%swap3A, %swap3A_41], %add3A_40 {strides = array<i32>} : memref<1024x32xi32, #tpu.memory_space<vmem>>, vector<1024x1xi32>,
    %ge3A_43 = arith.constant 0 : i32
    %ge3A_44 = vector.broadcast %ge3A_43 : i32 to vector<1024x1xi32>
    %ge3A_45 = arith.cmpi sge, %broadcast_in_dim3A_33, %ge3A_44 : vector<1024x1xi32>
    %sub3A_46 = arith.constant -2147483648 : i32
    %sub3A_47 = vector.broadcast %sub3A_46 : i32 to vector<1024x1xi32>
    %sub3A_48 = arith.subi %sub3A_47, %broadcast_in_dim3A_33 : vector<1024x1xi32>
    %select_n3A_49 = arith.select %ge3A_45, %broadcast_in_dim3A_33, %sub3A_48 : vector<1024x1xi1>, vector<1024x1xi32>
    %bitcast_convert_type3A_50 = tpu.bitcast %select_n3A_49 : vector<1024x1xi32> -> vector<1024x1xf32>
    %swap3A_51 = arith.constant 0 : index
    %swap3A_52 = arith.constant 0 : index
    %swap3A_53 = vector.load %arg6[%swap3A_51, %swap3A_52] : memref<1024x32xf32, #tpu.memory_space<vmem>>, vector<1024x1xf32>
    tpu.vector_store %arg6[%swap3A_51, %swap3A_52], %bitcast_convert_type3A_50 {strides = array<i32>} : memref<1024x32xf32, #tpu.memory_space<vmem>>, vector<1024x1xf32>,
    %eq3A_54 = vector.broadcast %broadcast_in_dim3A_39 : vector<1024x1xi32> to vector<1024x512xi32>
    %eq3A_55 = arith.cmpi eq, %iota3A, %eq3A_54 : vector<1024x512xi32>
    %jit3A_56 = arith.constant -2147483648 : i32
    %broadcast_in_dim3A_57 = vector.broadcast %jit3A_56 : i32 to vector<1024x512xi32>
    %select_n3A_58 = arith.select %eq3A_55, %broadcast_in_dim3A_57, %select_n3A_21 : vector<1024x512xi1>, vector<1024x512xi32>
    %reduce_max3A_59 = arith.constant dense<-2147483648> : vector<1024xi32>
    %reduce_max3A_60 = vector.multi_reduction <maxsi>, %select_n3A_58, %reduce_max3A_59 [1] : vector<1024x512xi32> to vector<1024xi32>
    %broadcast_in_dim3A_61 = vector.shape_cast %reduce_max3A_60 : vector<1024xi32> to vector<1024x1xi32>
    %eq3A_62 = vector.broadcast %broadcast_in_dim3A_61 : vector<1024x1xi32> to vector<1024x512xi32>
    %eq3A_63 = arith.cmpi eq, %select_n3A_58, %eq3A_62 : vector<1024x512xi32>
    %jit3A_64 = arith.constant 512 : i32
    %broadcast_in_dim3A_65 = vector.broadcast %jit3A_64 : i32 to vector<1024x512xi32>
    %select_n3A_66 = arith.select %eq3A_63, %iota3A, %broadcast_in_dim3A_65 : vector<1024x512xi1>, vector<1024x512xi32>
    %reduce_min3A_67 = arith.constant dense<2147483647> : vector<1024xi32>
    %reduce_min3A_68 = vector.multi_reduction <minsi>, %select_n3A_66, %reduce_min3A_67 [1] : vector<1024x512xi32> to vector<1024xi32>
    %broadcast_in_dim3A_69 = vector.shape_cast %reduce_min3A_68 : vector<1024xi32> to vector<1024x1xi32>
    %add3A_70 = arith.addi %mul3A_31, %broadcast_in_dim3A_69 : vector<1024x1xi32>
    %swap3A_71 = arith.constant 0 : index
    %swap3A_72 = arith.constant 1 : index
    %swap3A_73 = vector.load %arg5[%swap3A_71, %swap3A_72] : memref<1024x32xi32, #tpu.memory_space<vmem>>, vector<1024x1xi32>
    tpu.vector_store %arg5[%swap3A_71, %swap3A_72], %add3A_70 {strides = array<i32>} : memref<1024x32xi32, #tpu.memory_space<vmem>>, vector<1024x1xi32>,
    %ge3A_74 = arith.constant 0 : i32
    %ge3A_75 = vector.broadcast %ge3A_74 : i32 to vector<1024x1xi32>
    %ge3A_76 = arith.cmpi sge, %broadcast_in_dim3A_61, %ge3A_75 : vector<1024x1xi32>
    %sub3A_77 = arith.constant -2147483648 : i32
    %sub3A_78 = vector.broadcast %sub3A_77 : i32 to vector<1024x1xi32>
    %sub3A_79 = arith.subi %sub3A_78, %broadcast_in_dim3A_61 : vector<1024x1xi32>
    %select_n3A_80 = arith.select %ge3A_76, %broadcast_in_dim3A_61, %sub3A_79 : vector<1024x1xi1>, vector<1024x1xi32>
    %bitcast_convert_type3A_81 = tpu.bitcast %select_n3A_80 : vector<1024x1xi32> -> vector<1024x1xf32>
    %swap3A_82 = arith.constant 0 : index
    %swap3A_83 = arith.constant 1 : index
    %swap3A_84 = vector.load %arg6[%swap3A_82, %swap3A_83] : memref<1024x32xf32, #tpu.memory_space<vmem>>, vector<1024x1xf32>
    tpu.vector_store %arg6[%swap3A_82, %swap3A_83], %bitcast_convert_type3A_81 {strides = array<i32>} : memref<1024x32xf32, #tpu.memory_space<vmem>>, vector<1024x1xf32>,
    %eq3A_85 = vector.broadcast %broadcast_in_dim3A_69 : vector<1024x1xi32> to vector<1024x512xi32>
    %eq3A_86 = arith.cmpi eq, %iota3A, %eq3A_85 : vector<1024x512xi32>
    %jit3A_87 = arith.constant -2147483648 : i32
    %broadcast_in_dim3A_88 = vector.broadcast %jit3A_87 : i32 to vector<1024x512xi32>
    %select_n3A_89 = arith.select %eq3A_86, %broadcast_in_dim3A_88, %select_n3A_58 : vector<1024x512xi1>, vector<1024x512xi32>
    %reduce_max3A_90 = arith.constant dense<-2147483648> : vector<1024xi32>
    %reduce_max3A_91 = vector.multi_reduction <maxsi>, %select_n3A_89, %reduce_max3A_90 [1] : vector<1024x512xi32> to vector<1024xi32>
    %broadcast_in_dim3A_92 = vector.shape_cast %reduce_max3A_91 : vector<1024xi32> to vector<1024x1xi32>
    %eq3A_93 = vector.broadcast %broadcast_in_dim3A_92 : vector<1024x1xi32> to vector<1024x512xi32>
    %eq3A_94 = arith.cmpi eq, %select_n3A_89, %eq3A_93 : vector<1024x512xi32>
    %jit3A_95 = arith.constant 512 : i32
    %broadcast_in_dim3A_96 = vector.broadcast %jit3A_95 : i32 to vector<1024x512xi32>
    %select_n3A_97 = arith.select %eq3A_94, %iota3A, %broadcast_in_dim3A_96 : vector<1024x512xi1>, vector<1024x512xi32>
    %reduce_min3A_98 = arith.constant dense<2147483647> : vector<1024xi32>
    %reduce_min3A_99 = vector.multi_reduction <minsi>, %select_n3A_97, %reduce_min3A_98 [1] : vector<1024x512xi32> to vector<1024xi32>
    %broadcast_in_dim3A_100 = vector.shape_cast %reduce_min3A_99 : vector<1024xi32> to vector<1024x1xi32>
    %add3A_101 = arith.addi %mul3A_31, %broadcast_in_dim3A_100 : vector<1024x1xi32>
    %swap3A_102 = arith.constant 0 : index
    %swap3A_103 = arith.constant 2 : index
    %swap3A_104 = vector.load %arg5[%swap3A_102, %swap3A_103] : memref<1024x32xi32, #tpu.memory_space<vmem>>, vector<1024x1xi32>
    tpu.vector_store %arg5[%swap3A_102, %swap3A_103], %add3A_101 {strides = array<i32>} : memref<1024x32xi32, #tpu.memory_space<vmem>>, vector<1024x1xi32>,
    %ge3A_105 = arith.constant 0 : i32
    %ge3A_106 = vector.broadcast %ge3A_105 : i32 to vector<1024x1xi32>
    %ge3A_107 = arith.cmpi sge, %broadcast_in_dim3A_92, %ge3A_106 : vector<1024x1xi32>
    %sub3A_108 = arith.constant -2147483648 : i32
    %sub3A_109 = vector.broadcast %sub3A_108 : i32 to vector<1024x1xi32>
    %sub3A_110 = arith.subi %sub3A_109, %broadcast_in_dim3A_92 : vector<1024x1xi32>
    %select_n3A_111 = arith.select %ge3A_107, %broadcast_in_dim3A_92, %sub3A_110 : vector<1024x1xi1>, vector<1024x1xi32>
    %bitcast_convert_type3A_112 = tpu.bitcast %select_n3A_111 : vector<1024x1xi32> -> vector<1024x1xf32>
    %swap3A_113 = arith.constant 0 : index
    %swap3A_114 = arith.constant 2 : index
    %swap3A_115 = vector.load %arg6[%swap3A_113, %swap3A_114] : memref<1024x32xf32, #tpu.memory_space<vmem>>, vector<1024x1xf32>
    tpu.vector_store %arg6[%swap3A_113, %swap3A_114], %bitcast_convert_type3A_112 {strides = array<i32>} : memref<1024x32xf32, #tpu.memory_space<vmem>>, vector<1024x1xf32>,
    %eq3A_116 = vector.broadcast %broadcast_in_dim3A_100 : vector<1024x1xi32> to vector<1024x512xi32>
    %eq3A_117 = arith.cmpi eq, %iota3A, %eq3A_116 : vector<1024x512xi32>
    %jit3A_118 = arith.constant -2147483648 : i32
    %broadcast_in_dim3A_119 = vector.broadcast %jit3A_118 : i32 to vector<1024x512xi32>
    %select_n3A_120 = arith.select %eq3A_117, %broadcast_in_dim3A_119, %select_n3A_89 : vector<1024x512xi1>, vector<1024x512xi32>
    %reduce_max3A_121 = arith.constant dense<-2147483648> : vector<1024xi32>
    %reduce_max3A_122 = vector.multi_reduction <maxsi>, %select_n3A_120, %reduce_max3A_121 [1] : vector<1024x512xi32> to vector<1024xi32>
    %broadcast_in_dim3A_123 = vector.shape_cast %reduce_max3A_122 : vector<1024xi32> to vector<1024x1xi32>
    %eq3A_124 = vector.broadcast %broadcast_in_dim3A_123 : vector<1024x1xi32> to vector<1024x512xi32>
    %eq3A_125 = arith.cmpi eq, %select_n3A_120, %eq3A_124 : vector<1024x512xi32>
    %jit3A_126 = arith.constant 512 : i32
    %broadcast_in_dim3A_127 = vector.broadcast %jit3A_126 : i32 to vector<1024x512xi32>
    %select_n3A_128 = arith.select %eq3A_125, %iota3A, %broadcast_in_dim3A_127 : vector<1024x512xi1>, vector<1024x512xi32>
    %reduce_min3A_129 = arith.constant dense<2147483647> : vector<1024xi32>
    %reduce_min3A_130 = vector.multi_reduction <minsi>, %select_n3A_128, %reduce_min3A_129 [1] : vector<1024x512xi32> to vector<1024xi32>
    %broadcast_in_dim3A_131 = vector.shape_cast %reduce_min3A_130 : vector<1024xi32> to vector<1024x1xi32>
    %add3A_132 = arith.addi %mul3A_31, %broadcast_in_dim3A_131 : vector<1024x1xi32>
    %swap3A_133 = arith.constant 0 : index
    %swap3A_134 = arith.constant 3 : index
    %swap3A_135 = vector.load %arg5[%swap3A_133, %swap3A_134] : memref<1024x32xi32, #tpu.memory_space<vmem>>, vector<1024x1xi32>
    tpu.vector_store %arg5[%swap3A_133, %swap3A_134], %add3A_132 {strides = array<i32>} : memref<1024x32xi32, #tpu.memory_space<vmem>>, vector<1024x1xi32>,
    %ge3A_136 = arith.constant 0 : i32
    %ge3A_137 = vector.broadcast %ge3A_136 : i32 to vector<1024x1xi32>
    %ge3A_138 = arith.cmpi sge, %broadcast_in_dim3A_123, %ge3A_137 : vector<1024x1xi32>
    %sub3A_139 = arith.constant -2147483648 : i32
    %sub3A_140 = vector.broadcast %sub3A_139 : i32 to vector<1024x1xi32>
    %sub3A_141 = arith.subi %sub3A_140, %broadcast_in_dim3A_123 : vector<1024x1xi32>
    %select_n3A_142 = arith.select %ge3A_138, %broadcast_in_dim3A_123, %sub3A_141 : vector<1024x1xi1>, vector<1024x1xi32>
    %bitcast_convert_type3A_143 = tpu.bitcast %select_n3A_142 : vector<1024x1xi32> -> vector<1024x1xf32>
    %swap3A_144 = arith.constant 0 : index
    %swap3A_145 = arith.constant 3 : index
    %swap3A_146 = vector.load %arg6[%swap3A_144, %swap3A_145] : memref<1024x32xf32, #tpu.memory_space<vmem>>, vector<1024x1xf32>
    tpu.vector_store %arg6[%swap3A_144, %swap3A_145], %bitcast_convert_type3A_143 {strides = array<i32>} : memref<1024x32xf32, #tpu.memory_space<vmem>>, vector<1024x1xf32>,
    %eq3A_147 = vector.broadcast %broadcast_in_dim3A_131 : vector<1024x1xi32> to vector<1024x512xi32>
    %eq3A_148 = arith.cmpi eq, %iota3A, %eq3A_147 : vector<1024x512xi32>
    %jit3A_149 = arith.constant -2147483648 : i32
    %broadcast_in_dim3A_150 = vector.broadcast %jit3A_149 : i32 to vector<1024x512xi32>
    %select_n3A_151 = arith.select %eq3A_148, %broadcast_in_dim3A_150, %select_n3A_120 : vector<1024x512xi1>, vector<1024x512xi32>
    %reduce_max3A_152 = arith.constant dense<-2147483648> : vector<1024xi32>
    %reduce_max3A_153 = vector.multi_reduction <maxsi>, %select_n3A_151, %reduce_max3A_152 [1] : vector<1024x512xi32> to vector<1024xi32>
    %broadcast_in_dim3A_154 = vector.shape_cast %reduce_max3A_153 : vector<1024xi32> to vector<1024x1xi32>
    %eq3A_155 = vector.broadcast %broadcast_in_dim3A_154 : vector<1024x1xi32> to vector<1024x512xi32>
    %eq3A_156 = arith.cmpi eq, %select_n3A_151, %eq3A_155 : vector<1024x512xi32>
    %jit3A_157 = arith.constant 512 : i32
    %broadcast_in_dim3A_158 = vector.broadcast %jit3A_157 : i32 to vector<1024x512xi32>
    %select_n3A_159 = arith.select %eq3A_156, %iota3A, %broadcast_in_dim3A_158 : vector<1024x512xi1>, vector<1024x512xi32>
    %reduce_min3A_160 = arith.constant dense<2147483647> : vector<1024xi32>
    %reduce_min3A_161 = vector.multi_reduction <minsi>, %select_n3A_159, %reduce_min3A_160 [1] : vector<1024x512xi32> to vector<1024xi32>
    %broadcast_in_dim3A_162 = vector.shape_cast %reduce_min3A_161 : vector<1024xi32> to vector<1024x1xi32>
    %add3A_163 = arith.addi %mul3A_31, %broadcast_in_dim3A_162 : vector<1024x1xi32>
    %swap3A_164 = arith.constant 0 : index
    %swap3A_165 = arith.constant 4 : index
    %swap3A_166 = vector.load %arg5[%swap3A_164, %swap3A_165] : memref<1024x32xi32, #tpu.memory_space<vmem>>, vector<1024x1xi32>
    tpu.vector_store %arg5[%swap3A_164, %swap3A_165], %add3A_163 {strides = array<i32>} : memref<1024x32xi32, #tpu.memory_space<vmem>>, vector<1024x1xi32>,
    %ge3A_167 = arith.constant 0 : i32
    %ge3A_168 = vector.broadcast %ge3A_167 : i32 to vector<1024x1xi32>
    %ge3A_169 = arith.cmpi sge, %broadcast_in_dim3A_154, %ge3A_168 : vector<1024x1xi32>
    %sub3A_170 = arith.constant -2147483648 : i32
    %sub3A_171 = vector.broadcast %sub3A_170 : i32 to vector<1024x1xi32>
    %sub3A_172 = arith.subi %sub3A_171, %broadcast_in_dim3A_154 : vector<1024x1xi32>
    %select_n3A_173 = arith.select %ge3A_169, %broadcast_in_dim3A_154, %sub3A_172 : vector<1024x1xi1>, vector<1024x1xi32>
    %bitcast_convert_type3A_174 = tpu.bitcast %select_n3A_173 : vector<1024x1xi32> -> vector<1024x1xf32>
    %swap3A_175 = arith.constant 0 : index
    %swap3A_176 = arith.constant 4 : index
    %swap3A_177 = vector.load %arg6[%swap3A_175, %swap3A_176] : memref<1024x32xf32, #tpu.memory_space<vmem>>, vector<1024x1xf32>
    tpu.vector_store %arg6[%swap3A_175, %swap3A_176], %bitcast_convert_type3A_174 {strides = array<i32>} : memref<1024x32xf32, #tpu.memory_space<vmem>>, vector<1024x1xf32>,
    %eq3A_178 = vector.broadcast %broadcast_in_dim3A_162 : vector<1024x1xi32> to vector<1024x512xi32>
    %eq3A_179 = arith.cmpi eq, %iota3A, %eq3A_178 : vector<1024x512xi32>
    %jit3A_180 = arith.constant -2147483648 : i32
    %broadcast_in_dim3A_181 = vector.broadcast %jit3A_180 : i32 to vector<1024x512xi32>
    %select_n3A_182 = arith.select %eq3A_179, %broadcast_in_dim3A_181, %select_n3A_151 : vector<1024x512xi1>, vector<1024x512xi32>
    %reduce_max3A_183 = arith.constant dense<-2147483648> : vector<1024xi32>
    %reduce_max3A_184 = vector.multi_reduction <maxsi>, %select_n3A_182, %reduce_max3A_183 [1] : vector<1024x512xi32> to vector<1024xi32>
    %broadcast_in_dim3A_185 = vector.shape_cast %reduce_max3A_184 : vector<1024xi32> to vector<1024x1xi32>
    %eq3A_186 = vector.broadcast %broadcast_in_dim3A_185 : vector<1024x1xi32> to vector<1024x512xi32>
    %eq3A_187 = arith.cmpi eq, %select_n3A_182, %eq3A_186 : vector<1024x512xi32>
    %jit3A_188 = arith.constant 512 : i32
    %broadcast_in_dim3A_189 = vector.broadcast %jit3A_188 : i32 to vector<1024x512xi32>
    %select_n3A_190 = arith.select %eq3A_187, %iota3A, %broadcast_in_dim3A_189 : vector<1024x512xi1>, vector<1024x512xi32>
    %reduce_min3A_191 = arith.constant dense<2147483647> : vector<1024xi32>
    %reduce_min3A_192 = vector.multi_reduction <minsi>, %select_n3A_190, %reduce_min3A_191 [1] : vector<1024x512xi32> to vector<1024xi32>
    %broadcast_in_dim3A_193 = vector.shape_cast %reduce_min3A_192 : vector<1024xi32> to vector<1024x1xi32>
    %add3A_194 = arith.addi %mul3A_31, %broadcast_in_dim3A_193 : vector<1024x1xi32>
    %swap3A_195 = arith.constant 0 : index
    %swap3A_196 = arith.constant 5 : index
    %swap3A_197 = vector.load %arg5[%swap3A_195, %swap3A_196] : memref<1024x32xi32, #tpu.memory_space<vmem>>, vector<1024x1xi32>
    tpu.vector_store %arg5[%swap3A_195, %swap3A_196], %add3A_194 {strides = array<i32>} : memref<1024x32xi32, #tpu.memory_space<vmem>>, vector<1024x1xi32>,
    %ge3A_198 = arith.constant 0 : i32
    %ge3A_199 = vector.broadcast %ge3A_198 : i32 to vector<1024x1xi32>
    %ge3A_200 = arith.cmpi sge, %broadcast_in_dim3A_185, %ge3A_199 : vector<1024x1xi32>
    %sub3A_201 = arith.constant -2147483648 : i32
    %sub3A_202 = vector.broadcast %sub3A_201 : i32 to vector<1024x1xi32>
    %sub3A_203 = arith.subi %sub3A_202, %broadcast_in_dim3A_185 : vector<1024x1xi32>
    %select_n3A_204 = arith.select %ge3A_200, %broadcast_in_dim3A_185, %sub3A_203 : vector<1024x1xi1>, vector<1024x1xi32>
    %bitcast_convert_type3A_205 = tpu.bitcast %select_n3A_204 : vector<1024x1xi32> -> vector<1024x1xf32>
    %swap3A_206 = arith.constant 0 : index
    %swap3A_207 = arith.constant 5 : index
    %swap3A_208 = vector.load %arg6[%swap3A_206, %swap3A_207] : memref<1024x32xf32, #tpu.memory_space<vmem>>, vector<1024x1xf32>
    tpu.vector_store %arg6[%swap3A_206, %swap3A_207], %bitcast_convert_type3A_205 {strides = array<i32>} : memref<1024x32xf32, #tpu.memory_space<vmem>>, vector<1024x1xf32>,
    %eq3A_209 = vector.broadcast %broadcast_in_dim3A_193 : vector<1024x1xi32> to vector<1024x512xi32>
    %eq3A_210 = arith.cmpi eq, %iota3A, %eq3A_209 : vector<1024x512xi32>
    %jit3A_211 = arith.constant -2147483648 : i32
    %broadcast_in_dim3A_212 = vector.broadcast %jit3A_211 : i32 to vector<1024x512xi32>
    %select_n3A_213 = arith.select %eq3A_210, %broadcast_in_dim3A_212, %select_n3A_182 : vector<1024x512xi1>, vector<1024x512xi32>
    %reduce_max3A_214 = arith.constant dense<-2147483648> : vector<1024xi32>
    %reduce_max3A_215 = vector.multi_reduction <maxsi>, %select_n3A_213, %reduce_max3A_214 [1] : vector<1024x512xi32> to vector<1024xi32>
    %broadcast_in_dim3A_216 = vector.shape_cast %reduce_max3A_215 : vector<1024xi32> to vector<1024x1xi32>
    %eq3A_217 = vector.broadcast %broadcast_in_dim3A_216 : vector<1024x1xi32> to vector<1024x512xi32>
    %eq3A_218 = arith.cmpi eq, %select_n3A_213, %eq3A_217 : vector<1024x512xi32>
    %jit3A_219 = arith.constant 512 : i32
    %broadcast_in_dim3A_220 = vector.broadcast %jit3A_219 : i32 to vector<1024x512xi32>
    %select_n3A_221 = arith.select %eq3A_218, %iota3A, %broadcast_in_dim3A_220 : vector<1024x512xi1>, vector<1024x512xi32>
    %reduce_min3A_222 = arith.constant dense<2147483647> : vector<1024xi32>
    %reduce_min3A_223 = vector.multi_reduction <minsi>, %select_n3A_221, %reduce_min3A_222 [1] : vector<1024x512xi32> to vector<1024xi32>
    %broadcast_in_dim3A_224 = vector.shape_cast %reduce_min3A_223 : vector<1024xi32> to vector<1024x1xi32>
    %add3A_225 = arith.addi %mul3A_31, %broadcast_in_dim3A_224 : vector<1024x1xi32>
    %swap3A_226 = arith.constant 0 : index
    %swap3A_227 = arith.constant 6 : index
    %swap3A_228 = vector.load %arg5[%swap3A_226, %swap3A_227] : memref<1024x32xi32, #tpu.memory_space<vmem>>, vector<1024x1xi32>
    tpu.vector_store %arg5[%swap3A_226, %swap3A_227], %add3A_225 {strides = array<i32>} : memref<1024x32xi32, #tpu.memory_space<vmem>>, vector<1024x1xi32>,
    %ge3A_229 = arith.constant 0 : i32
    %ge3A_230 = vector.broadcast %ge3A_229 : i32 to vector<1024x1xi32>
    %ge3A_231 = arith.cmpi sge, %broadcast_in_dim3A_216, %ge3A_230 : vector<1024x1xi32>
    %sub3A_232 = arith.constant -2147483648 : i32
    %sub3A_233 = vector.broadcast %sub3A_232 : i32 to vector<1024x1xi32>
    %sub3A_234 = arith.subi %sub3A_233, %broadcast_in_dim3A_216 : vector<1024x1xi32>
    %select_n3A_235 = arith.select %ge3A_231, %broadcast_in_dim3A_216, %sub3A_234 : vector<1024x1xi1>, vector<1024x1xi32>
    %bitcast_convert_type3A_236 = tpu.bitcast %select_n3A_235 : vector<1024x1xi32> -> vector<1024x1xf32>
    %swap3A_237 = arith.constant 0 : index
    %swap3A_238 = arith.constant 6 : index
    %swap3A_239 = vector.load %arg6[%swap3A_237, %swap3A_238] : memref<1024x32xf32, #tpu.memory_space<vmem>>, vector<1024x1xf32>
    tpu.vector_store %arg6[%swap3A_237, %swap3A_238], %bitcast_convert_type3A_236 {strides = array<i32>} : memref<1024x32xf32, #tpu.memory_space<vmem>>, vector<1024x1xf32>,
    %eq3A_240 = vector.broadcast %broadcast_in_dim3A_224 : vector<1024x1xi32> to vector<1024x512xi32>
    %eq3A_241 = arith.cmpi eq, %iota3A, %eq3A_240 : vector<1024x512xi32>
    %jit3A_242 = arith.constant -2147483648 : i32
    %broadcast_in_dim3A_243 = vector.broadcast %jit3A_242 : i32 to vector<1024x512xi32>
    %select_n3A_244 = arith.select %eq3A_241, %broadcast_in_dim3A_243, %select_n3A_213 : vector<1024x512xi1>, vector<1024x512xi32>
    %reduce_max3A_245 = arith.constant dense<-2147483648> : vector<1024xi32>
    %reduce_max3A_246 = vector.multi_reduction <maxsi>, %select_n3A_244, %reduce_max3A_245 [1] : vector<1024x512xi32> to vector<1024xi32>
    %broadcast_in_dim3A_247 = vector.shape_cast %reduce_max3A_246 : vector<1024xi32> to vector<1024x1xi32>
    %eq3A_248 = vector.broadcast %broadcast_in_dim3A_247 : vector<1024x1xi32> to vector<1024x512xi32>
    %eq3A_249 = arith.cmpi eq, %select_n3A_244, %eq3A_248 : vector<1024x512xi32>
    %jit3A_250 = arith.constant 512 : i32
    %broadcast_in_dim3A_251 = vector.broadcast %jit3A_250 : i32 to vector<1024x512xi32>
    %select_n3A_252 = arith.select %eq3A_249, %iota3A, %broadcast_in_dim3A_251 : vector<1024x512xi1>, vector<1024x512xi32>
    %reduce_min3A_253 = arith.constant dense<2147483647> : vector<1024xi32>
    %reduce_min3A_254 = vector.multi_reduction <minsi>, %select_n3A_252, %reduce_min3A_253 [1] : vector<1024x512xi32> to vector<1024xi32>
    %broadcast_in_dim3A_255 = vector.shape_cast %reduce_min3A_254 : vector<1024xi32> to vector<1024x1xi32>
    %add3A_256 = arith.addi %mul3A_31, %broadcast_in_dim3A_255 : vector<1024x1xi32>
    %swap3A_257 = arith.constant 0 : index
    %swap3A_258 = arith.constant 7 : index
    %swap3A_259 = vector.load %arg5[%swap3A_257, %swap3A_258] : memref<1024x32xi32, #tpu.memory_space<vmem>>, vector<1024x1xi32>
    tpu.vector_store %arg5[%swap3A_257, %swap3A_258], %add3A_256 {strides = array<i32>} : memref<1024x32xi32, #tpu.memory_space<vmem>>, vector<1024x1xi32>,
    %ge3A_260 = arith.constant 0 : i32
    %ge3A_261 = vector.broadcast %ge3A_260 : i32 to vector<1024x1xi32>
    %ge3A_262 = arith.cmpi sge, %broadcast_in_dim3A_247, %ge3A_261 : vector<1024x1xi32>
    %sub3A_263 = arith.constant -2147483648 : i32
    %sub3A_264 = vector.broadcast %sub3A_263 : i32 to vector<1024x1xi32>
    %sub3A_265 = arith.subi %sub3A_264, %broadcast_in_dim3A_247 : vector<1024x1xi32>
    %select_n3A_266 = arith.select %ge3A_262, %broadcast_in_dim3A_247, %sub3A_265 : vector<1024x1xi1>, vector<1024x1xi32>
    %bitcast_convert_type3A_267 = tpu.bitcast %select_n3A_266 : vector<1024x1xi32> -> vector<1024x1xf32>
    %swap3A_268 = arith.constant 0 : index
    %swap3A_269 = arith.constant 7 : index
    %swap3A_270 = vector.load %arg6[%swap3A_268, %swap3A_269] : memref<1024x32xf32, #tpu.memory_space<vmem>>, vector<1024x1xf32>
    tpu.vector_store %arg6[%swap3A_268, %swap3A_269], %bitcast_convert_type3A_267 {strides = array<i32>} : memref<1024x32xf32, #tpu.memory_space<vmem>>, vector<1024x1xf32>,
    %eq3A_271 = vector.broadcast %broadcast_in_dim3A_255 : vector<1024x1xi32> to vector<1024x512xi32>
    %eq3A_272 = arith.cmpi eq, %iota3A, %eq3A_271 : vector<1024x512xi32>
    %jit3A_273 = arith.constant -2147483648 : i32
    %broadcast_in_dim3A_274 = vector.broadcast %jit3A_273 : i32 to vector<1024x512xi32>
    %select_n3A_275 = arith.select %eq3A_272, %broadcast_in_dim3A_274, %select_n3A_244 : vector<1024x512xi1>, vector<1024x512xi32>
    %reduce_max3A_276 = arith.constant dense<-2147483648> : vector<1024xi32>
    %reduce_max3A_277 = vector.multi_reduction <maxsi>, %select_n3A_275, %reduce_max3A_276 [1] : vector<1024x512xi32> to vector<1024xi32>
    %broadcast_in_dim3A_278 = vector.shape_cast %reduce_max3A_277 : vector<1024xi32> to vector<1024x1xi32>
    %eq3A_279 = vector.broadcast %broadcast_in_dim3A_278 : vector<1024x1xi32> to vector<1024x512xi32>
    %eq3A_280 = arith.cmpi eq, %select_n3A_275, %eq3A_279 : vector<1024x512xi32>
    %jit3A_281 = arith.constant 512 : i32
    %broadcast_in_dim3A_282 = vector.broadcast %jit3A_281 : i32 to vector<1024x512xi32>
    %select_n3A_283 = arith.select %eq3A_280, %iota3A, %broadcast_in_dim3A_282 : vector<1024x512xi1>, vector<1024x512xi32>
    %reduce_min3A_284 = arith.constant dense<2147483647> : vector<1024xi32>
    %reduce_min3A_285 = vector.multi_reduction <minsi>, %select_n3A_283, %reduce_min3A_284 [1] : vector<1024x512xi32> to vector<1024xi32>
    %broadcast_in_dim3A_286 = vector.shape_cast %reduce_min3A_285 : vector<1024xi32> to vector<1024x1xi32>
    %add3A_287 = arith.addi %mul3A_31, %broadcast_in_dim3A_286 : vector<1024x1xi32>
    %swap3A_288 = arith.constant 0 : index
    %swap3A_289 = arith.constant 8 : index
    %swap3A_290 = vector.load %arg5[%swap3A_288, %swap3A_289] : memref<1024x32xi32, #tpu.memory_space<vmem>>, vector<1024x1xi32>
    tpu.vector_store %arg5[%swap3A_288, %swap3A_289], %add3A_287 {strides = array<i32>} : memref<1024x32xi32, #tpu.memory_space<vmem>>, vector<1024x1xi32>,
    %ge3A_291 = arith.constant 0 : i32
    %ge3A_292 = vector.broadcast %ge3A_291 : i32 to vector<1024x1xi32>
    %ge3A_293 = arith.cmpi sge, %broadcast_in_dim3A_278, %ge3A_292 : vector<1024x1xi32>
    %sub3A_294 = arith.constant -2147483648 : i32
    %sub3A_295 = vector.broadcast %sub3A_294 : i32 to vector<1024x1xi32>
    %sub3A_296 = arith.subi %sub3A_295, %broadcast_in_dim3A_278 : vector<1024x1xi32>
    %select_n3A_297 = arith.select %ge3A_293, %broadcast_in_dim3A_278, %sub3A_296 : vector<1024x1xi1>, vector<1024x1xi32>
    %bitcast_convert_type3A_298 = tpu.bitcast %select_n3A_297 : vector<1024x1xi32> -> vector<1024x1xf32>
    %swap3A_299 = arith.constant 0 : index
    %swap3A_300 = arith.constant 8 : index
    %swap3A_301 = vector.load %arg6[%swap3A_299, %swap3A_300] : memref<1024x32xf32, #tpu.memory_space<vmem>>, vector<1024x1xf32>
    tpu.vector_store %arg6[%swap3A_299, %swap3A_300], %bitcast_convert_type3A_298 {strides = array<i32>} : memref<1024x32xf32, #tpu.memory_space<vmem>>, vector<1024x1xf32>,
    %eq3A_302 = vector.broadcast %broadcast_in_dim3A_286 : vector<1024x1xi32> to vector<1024x512xi32>
    %eq3A_303 = arith.cmpi eq, %iota3A, %eq3A_302 : vector<1024x512xi32>
    %jit3A_304 = arith.constant -2147483648 : i32
    %broadcast_in_dim3A_305 = vector.broadcast %jit3A_304 : i32 to vector<1024x512xi32>
    %select_n3A_306 = arith.select %eq3A_303, %broadcast_in_dim3A_305, %select_n3A_275 : vector<1024x512xi1>, vector<1024x512xi32>
    %reduce_max3A_307 = arith.constant dense<-2147483648> : vector<1024xi32>
    %reduce_max3A_308 = vector.multi_reduction <maxsi>, %select_n3A_306, %reduce_max3A_307 [1] : vector<1024x512xi32> to vector<1024xi32>
    %broadcast_in_dim3A_309 = vector.shape_cast %reduce_max3A_308 : vector<1024xi32> to vector<1024x1xi32>
    %eq3A_310 = vector.broadcast %broadcast_in_dim3A_309 : vector<1024x1xi32> to vector<1024x512xi32>
    %eq3A_311 = arith.cmpi eq, %select_n3A_306, %eq3A_310 : vector<1024x512xi32>
    %jit3A_312 = arith.constant 512 : i32
    %broadcast_in_dim3A_313 = vector.broadcast %jit3A_312 : i32 to vector<1024x512xi32>
    %select_n3A_314 = arith.select %eq3A_311, %iota3A, %broadcast_in_dim3A_313 : vector<1024x512xi1>, vector<1024x512xi32>
    %reduce_min3A_315 = arith.constant dense<2147483647> : vector<1024xi32>
    %reduce_min3A_316 = vector.multi_reduction <minsi>, %select_n3A_314, %reduce_min3A_315 [1] : vector<1024x512xi32> to vector<1024xi32>
    %broadcast_in_dim3A_317 = vector.shape_cast %reduce_min3A_316 : vector<1024xi32> to vector<1024x1xi32>
    %add3A_318 = arith.addi %mul3A_31, %broadcast_in_dim3A_317 : vector<1024x1xi32>
    %swap3A_319 = arith.constant 0 : index
    %swap3A_320 = arith.constant 9 : index
    %swap3A_321 = vector.load %arg5[%swap3A_319, %swap3A_320] : memref<1024x32xi32, #tpu.memory_space<vmem>>, vector<1024x1xi32>
    tpu.vector_store %arg5[%swap3A_319, %swap3A_320], %add3A_318 {strides = array<i32>} : memref<1024x32xi32, #tpu.memory_space<vmem>>, vector<1024x1xi32>,
    %ge3A_322 = arith.constant 0 : i32
    %ge3A_323 = vector.broadcast %ge3A_322 : i32 to vector<1024x1xi32>
    %ge3A_324 = arith.cmpi sge, %broadcast_in_dim3A_309, %ge3A_323 : vector<1024x1xi32>
    %sub3A_325 = arith.constant -2147483648 : i32
    %sub3A_326 = vector.broadcast %sub3A_325 : i32 to vector<1024x1xi32>
    %sub3A_327 = arith.subi %sub3A_326, %broadcast_in_dim3A_309 : vector<1024x1xi32>
    %select_n3A_328 = arith.select %ge3A_324, %broadcast_in_dim3A_309, %sub3A_327 : vector<1024x1xi1>, vector<1024x1xi32>
    %bitcast_convert_type3A_329 = tpu.bitcast %select_n3A_328 : vector<1024x1xi32> -> vector<1024x1xf32>
    %swap3A_330 = arith.constant 0 : index
    %swap3A_331 = arith.constant 9 : index
    %swap3A_332 = vector.load %arg6[%swap3A_330, %swap3A_331] : memref<1024x32xf32, #tpu.memory_space<vmem>>, vector<1024x1xf32>
    tpu.vector_store %arg6[%swap3A_330, %swap3A_331], %bitcast_convert_type3A_329 {strides = array<i32>} : memref<1024x32xf32, #tpu.memory_space<vmem>>, vector<1024x1xf32>,
    %eq3A_333 = vector.broadcast %broadcast_in_dim3A_317 : vector<1024x1xi32> to vector<1024x512xi32>
    %eq3A_334 = arith.cmpi eq, %iota3A, %eq3A_333 : vector<1024x512xi32>
    %jit3A_335 = arith.constant -2147483648 : i32
    %broadcast_in_dim3A_336 = vector.broadcast %jit3A_335 : i32 to vector<1024x512xi32>
    %select_n3A_337 = arith.select %eq3A_334, %broadcast_in_dim3A_336, %select_n3A_306 : vector<1024x512xi1>, vector<1024x512xi32>
    %reduce_max3A_338 = arith.constant dense<-2147483648> : vector<1024xi32>
    %reduce_max3A_339 = vector.multi_reduction <maxsi>, %select_n3A_337, %reduce_max3A_338 [1] : vector<1024x512xi32> to vector<1024xi32>
    %broadcast_in_dim3A_340 = vector.shape_cast %reduce_max3A_339 : vector<1024xi32> to vector<1024x1xi32>
    %eq3A_341 = vector.broadcast %broadcast_in_dim3A_340 : vector<1024x1xi32> to vector<1024x512xi32>
    %eq3A_342 = arith.cmpi eq, %select_n3A_337, %eq3A_341 : vector<1024x512xi32>
    %jit3A_343 = arith.constant 512 : i32
    %broadcast_in_dim3A_344 = vector.broadcast %jit3A_343 : i32 to vector<1024x512xi32>
    %select_n3A_345 = arith.select %eq3A_342, %iota3A, %broadcast_in_dim3A_344 : vector<1024x512xi1>, vector<1024x512xi32>
    %reduce_min3A_346 = arith.constant dense<2147483647> : vector<1024xi32>
    %reduce_min3A_347 = vector.multi_reduction <minsi>, %select_n3A_345, %reduce_min3A_346 [1] : vector<1024x512xi32> to vector<1024xi32>
    %broadcast_in_dim3A_348 = vector.shape_cast %reduce_min3A_347 : vector<1024xi32> to vector<1024x1xi32>
    %add3A_349 = arith.addi %mul3A_31, %broadcast_in_dim3A_348 : vector<1024x1xi32>
    %swap3A_350 = arith.constant 0 : index
    %swap3A_351 = arith.constant 10 : index
    %swap3A_352 = vector.load %arg5[%swap3A_350, %swap3A_351] : memref<1024x32xi32, #tpu.memory_space<vmem>>, vector<1024x1xi32>
    tpu.vector_store %arg5[%swap3A_350, %swap3A_351], %add3A_349 {strides = array<i32>} : memref<1024x32xi32, #tpu.memory_space<vmem>>, vector<1024x1xi32>,
    %ge3A_353 = arith.constant 0 : i32
    %ge3A_354 = vector.broadcast %ge3A_353 : i32 to vector<1024x1xi32>
    %ge3A_355 = arith.cmpi sge, %broadcast_in_dim3A_340, %ge3A_354 : vector<1024x1xi32>
    %sub3A_356 = arith.constant -2147483648 : i32
    %sub3A_357 = vector.broadcast %sub3A_356 : i32 to vector<1024x1xi32>
    %sub3A_358 = arith.subi %sub3A_357, %broadcast_in_dim3A_340 : vector<1024x1xi32>
    %select_n3A_359 = arith.select %ge3A_355, %broadcast_in_dim3A_340, %sub3A_358 : vector<1024x1xi1>, vector<1024x1xi32>
    %bitcast_convert_type3A_360 = tpu.bitcast %select_n3A_359 : vector<1024x1xi32> -> vector<1024x1xf32>
    %swap3A_361 = arith.constant 0 : index
    %swap3A_362 = arith.constant 10 : index
    %swap3A_363 = vector.load %arg6[%swap3A_361, %swap3A_362] : memref<1024x32xf32, #tpu.memory_space<vmem>>, vector<1024x1xf32>
    tpu.vector_store %arg6[%swap3A_361, %swap3A_362], %bitcast_convert_type3A_360 {strides = array<i32>} : memref<1024x32xf32, #tpu.memory_space<vmem>>, vector<1024x1xf32>,
    %eq3A_364 = vector.broadcast %broadcast_in_dim3A_348 : vector<1024x1xi32> to vector<1024x512xi32>
    %eq3A_365 = arith.cmpi eq, %iota3A, %eq3A_364 : vector<1024x512xi32>
    %jit3A_366 = arith.constant -2147483648 : i32
    %broadcast_in_dim3A_367 = vector.broadcast %jit3A_366 : i32 to vector<1024x512xi32>
    %select_n3A_368 = arith.select %eq3A_365, %broadcast_in_dim3A_367, %select_n3A_337 : vector<1024x512xi1>, vector<1024x512xi32>
    %reduce_max3A_369 = arith.constant dense<-2147483648> : vector<1024xi32>
    %reduce_max3A_370 = vector.multi_reduction <maxsi>, %select_n3A_368, %reduce_max3A_369 [1] : vector<1024x512xi32> to vector<1024xi32>
    %broadcast_in_dim3A_371 = vector.shape_cast %reduce_max3A_370 : vector<1024xi32> to vector<1024x1xi32>
    %eq3A_372 = vector.broadcast %broadcast_in_dim3A_371 : vector<1024x1xi32> to vector<1024x512xi32>
    %eq3A_373 = arith.cmpi eq, %select_n3A_368, %eq3A_372 : vector<1024x512xi32>
    %jit3A_374 = arith.constant 512 : i32
    %broadcast_in_dim3A_375 = vector.broadcast %jit3A_374 : i32 to vector<1024x512xi32>
    %select_n3A_376 = arith.select %eq3A_373, %iota3A, %broadcast_in_dim3A_375 : vector<1024x512xi1>, vector<1024x512xi32>
    %reduce_min3A_377 = arith.constant dense<2147483647> : vector<1024xi32>
    %reduce_min3A_378 = vector.multi_reduction <minsi>, %select_n3A_376, %reduce_min3A_377 [1] : vector<1024x512xi32> to vector<1024xi32>
    %broadcast_in_dim3A_379 = vector.shape_cast %reduce_min3A_378 : vector<1024xi32> to vector<1024x1xi32>
    %add3A_380 = arith.addi %mul3A_31, %broadcast_in_dim3A_379 : vector<1024x1xi32>
    %swap3A_381 = arith.constant 0 : index
    %swap3A_382 = arith.constant 11 : index
    %swap3A_383 = vector.load %arg5[%swap3A_381, %swap3A_382] : memref<1024x32xi32, #tpu.memory_space<vmem>>, vector<1024x1xi32>
    tpu.vector_store %arg5[%swap3A_381, %swap3A_382], %add3A_380 {strides = array<i32>} : memref<1024x32xi32, #tpu.memory_space<vmem>>, vector<1024x1xi32>,
    %ge3A_384 = arith.constant 0 : i32
    %ge3A_385 = vector.broadcast %ge3A_384 : i32 to vector<1024x1xi32>
    %ge3A_386 = arith.cmpi sge, %broadcast_in_dim3A_371, %ge3A_385 : vector<1024x1xi32>
    %sub3A_387 = arith.constant -2147483648 : i32
    %sub3A_388 = vector.broadcast %sub3A_387 : i32 to vector<1024x1xi32>
    %sub3A_389 = arith.subi %sub3A_388, %broadcast_in_dim3A_371 : vector<1024x1xi32>
    %select_n3A_390 = arith.select %ge3A_386, %broadcast_in_dim3A_371, %sub3A_389 : vector<1024x1xi1>, vector<1024x1xi32>
    %bitcast_convert_type3A_391 = tpu.bitcast %select_n3A_390 : vector<1024x1xi32> -> vector<1024x1xf32>
    %swap3A_392 = arith.constant 0 : index
    %swap3A_393 = arith.constant 11 : index
    %swap3A_394 = vector.load %arg6[%swap3A_392, %swap3A_393] : memref<1024x32xf32, #tpu.memory_space<vmem>>, vector<1024x1xf32>
    tpu.vector_store %arg6[%swap3A_392, %swap3A_393], %bitcast_convert_type3A_391 {strides = array<i32>} : memref<1024x32xf32, #tpu.memory_space<vmem>>, vector<1024x1xf32>,
    %eq3A_395 = vector.broadcast %broadcast_in_dim3A_379 : vector<1024x1xi32> to vector<1024x512xi32>
    %eq3A_396 = arith.cmpi eq, %iota3A, %eq3A_395 : vector<1024x512xi32>
    %jit3A_397 = arith.constant -2147483648 : i32
    %broadcast_in_dim3A_398 = vector.broadcast %jit3A_397 : i32 to vector<1024x512xi32>
    %select_n3A_399 = arith.select %eq3A_396, %broadcast_in_dim3A_398, %select_n3A_368 : vector<1024x512xi1>, vector<1024x512xi32>
    %reduce_max3A_400 = arith.constant dense<-2147483648> : vector<1024xi32>
    %reduce_max3A_401 = vector.multi_reduction <maxsi>, %select_n3A_399, %reduce_max3A_400 [1] : vector<1024x512xi32> to vector<1024xi32>
    %broadcast_in_dim3A_402 = vector.shape_cast %reduce_max3A_401 : vector<1024xi32> to vector<1024x1xi32>
    %eq3A_403 = vector.broadcast %broadcast_in_dim3A_402 : vector<1024x1xi32> to vector<1024x512xi32>
    %eq3A_404 = arith.cmpi eq, %select_n3A_399, %eq3A_403 : vector<1024x512xi32>
    %jit3A_405 = arith.constant 512 : i32
    %broadcast_in_dim3A_406 = vector.broadcast %jit3A_405 : i32 to vector<1024x512xi32>
    %select_n3A_407 = arith.select %eq3A_404, %iota3A, %broadcast_in_dim3A_406 : vector<1024x512xi1>, vector<1024x512xi32>
    %reduce_min3A_408 = arith.constant dense<2147483647> : vector<1024xi32>
    %reduce_min3A_409 = vector.multi_reduction <minsi>, %select_n3A_407, %reduce_min3A_408 [1] : vector<1024x512xi32> to vector<1024xi32>
    %broadcast_in_dim3A_410 = vector.shape_cast %reduce_min3A_409 : vector<1024xi32> to vector<1024x1xi32>
    %add3A_411 = arith.addi %mul3A_31, %broadcast_in_dim3A_410 : vector<1024x1xi32>
    %swap3A_412 = arith.constant 0 : index
    %swap3A_413 = arith.constant 12 : index
    %swap3A_414 = vector.load %arg5[%swap3A_412, %swap3A_413] : memref<1024x32xi32, #tpu.memory_space<vmem>>, vector<1024x1xi32>
    tpu.vector_store %arg5[%swap3A_412, %swap3A_413], %add3A_411 {strides = array<i32>} : memref<1024x32xi32, #tpu.memory_space<vmem>>, vector<1024x1xi32>,
    %ge3A_415 = arith.constant 0 : i32
    %ge3A_416 = vector.broadcast %ge3A_415 : i32 to vector<1024x1xi32>
    %ge3A_417 = arith.cmpi sge, %broadcast_in_dim3A_402, %ge3A_416 : vector<1024x1xi32>
    %sub3A_418 = arith.constant -2147483648 : i32
    %sub3A_419 = vector.broadcast %sub3A_418 : i32 to vector<1024x1xi32>
    %sub3A_420 = arith.subi %sub3A_419, %broadcast_in_dim3A_402 : vector<1024x1xi32>
    %select_n3A_421 = arith.select %ge3A_417, %broadcast_in_dim3A_402, %sub3A_420 : vector<1024x1xi1>, vector<1024x1xi32>
    %bitcast_convert_type3A_422 = tpu.bitcast %select_n3A_421 : vector<1024x1xi32> -> vector<1024x1xf32>
    %swap3A_423 = arith.constant 0 : index
    %swap3A_424 = arith.constant 12 : index
    %swap3A_425 = vector.load %arg6[%swap3A_423, %swap3A_424] : memref<1024x32xf32, #tpu.memory_space<vmem>>, vector<1024x1xf32>
    tpu.vector_store %arg6[%swap3A_423, %swap3A_424], %bitcast_convert_type3A_422 {strides = array<i32>} : memref<1024x32xf32, #tpu.memory_space<vmem>>, vector<1024x1xf32>,
    %eq3A_426 = vector.broadcast %broadcast_in_dim3A_410 : vector<1024x1xi32> to vector<1024x512xi32>
    %eq3A_427 = arith.cmpi eq, %iota3A, %eq3A_426 : vector<1024x512xi32>
    %jit3A_428 = arith.constant -2147483648 : i32
    %broadcast_in_dim3A_429 = vector.broadcast %jit3A_428 : i32 to vector<1024x512xi32>
    %select_n3A_430 = arith.select %eq3A_427, %broadcast_in_dim3A_429, %select_n3A_399 : vector<1024x512xi1>, vector<1024x512xi32>
    %reduce_max3A_431 = arith.constant dense<-2147483648> : vector<1024xi32>
    %reduce_max3A_432 = vector.multi_reduction <maxsi>, %select_n3A_430, %reduce_max3A_431 [1] : vector<1024x512xi32> to vector<1024xi32>
    %broadcast_in_dim3A_433 = vector.shape_cast %reduce_max3A_432 : vector<1024xi32> to vector<1024x1xi32>
    %eq3A_434 = vector.broadcast %broadcast_in_dim3A_433 : vector<1024x1xi32> to vector<1024x512xi32>
    %eq3A_435 = arith.cmpi eq, %select_n3A_430, %eq3A_434 : vector<1024x512xi32>
    %jit3A_436 = arith.constant 512 : i32
    %broadcast_in_dim3A_437 = vector.broadcast %jit3A_436 : i32 to vector<1024x512xi32>
    %select_n3A_438 = arith.select %eq3A_435, %iota3A, %broadcast_in_dim3A_437 : vector<1024x512xi1>, vector<1024x512xi32>
    %reduce_min3A_439 = arith.constant dense<2147483647> : vector<1024xi32>
    %reduce_min3A_440 = vector.multi_reduction <minsi>, %select_n3A_438, %reduce_min3A_439 [1] : vector<1024x512xi32> to vector<1024xi32>
    %broadcast_in_dim3A_441 = vector.shape_cast %reduce_min3A_440 : vector<1024xi32> to vector<1024x1xi32>
    %add3A_442 = arith.addi %mul3A_31, %broadcast_in_dim3A_441 : vector<1024x1xi32>
    %swap3A_443 = arith.constant 0 : index
    %swap3A_444 = arith.constant 13 : index
    %swap3A_445 = vector.load %arg5[%swap3A_443, %swap3A_444] : memref<1024x32xi32, #tpu.memory_space<vmem>>, vector<1024x1xi32>
    tpu.vector_store %arg5[%swap3A_443, %swap3A_444], %add3A_442 {strides = array<i32>} : memref<1024x32xi32, #tpu.memory_space<vmem>>, vector<1024x1xi32>,
    %ge3A_446 = arith.constant 0 : i32
    %ge3A_447 = vector.broadcast %ge3A_446 : i32 to vector<1024x1xi32>
    %ge3A_448 = arith.cmpi sge, %broadcast_in_dim3A_433, %ge3A_447 : vector<1024x1xi32>
    %sub3A_449 = arith.constant -2147483648 : i32
    %sub3A_450 = vector.broadcast %sub3A_449 : i32 to vector<1024x1xi32>
    %sub3A_451 = arith.subi %sub3A_450, %broadcast_in_dim3A_433 : vector<1024x1xi32>
    %select_n3A_452 = arith.select %ge3A_448, %broadcast_in_dim3A_433, %sub3A_451 : vector<1024x1xi1>, vector<1024x1xi32>
    %bitcast_convert_type3A_453 = tpu.bitcast %select_n3A_452 : vector<1024x1xi32> -> vector<1024x1xf32>
    %swap3A_454 = arith.constant 0 : index
    %swap3A_455 = arith.constant 13 : index
    %swap3A_456 = vector.load %arg6[%swap3A_454, %swap3A_455] : memref<1024x32xf32, #tpu.memory_space<vmem>>, vector<1024x1xf32>
    tpu.vector_store %arg6[%swap3A_454, %swap3A_455], %bitcast_convert_type3A_453 {strides = array<i32>} : memref<1024x32xf32, #tpu.memory_space<vmem>>, vector<1024x1xf32>,
    %eq3A_457 = vector.broadcast %broadcast_in_dim3A_441 : vector<1024x1xi32> to vector<1024x512xi32>
    %eq3A_458 = arith.cmpi eq, %iota3A, %eq3A_457 : vector<1024x512xi32>
    %jit3A_459 = arith.constant -2147483648 : i32
    %broadcast_in_dim3A_460 = vector.broadcast %jit3A_459 : i32 to vector<1024x512xi32>
    %select_n3A_461 = arith.select %eq3A_458, %broadcast_in_dim3A_460, %select_n3A_430 : vector<1024x512xi1>, vector<1024x512xi32>
    %reduce_max3A_462 = arith.constant dense<-2147483648> : vector<1024xi32>
    %reduce_max3A_463 = vector.multi_reduction <maxsi>, %select_n3A_461, %reduce_max3A_462 [1] : vector<1024x512xi32> to vector<1024xi32>
    %broadcast_in_dim3A_464 = vector.shape_cast %reduce_max3A_463 : vector<1024xi32> to vector<1024x1xi32>
    %eq3A_465 = vector.broadcast %broadcast_in_dim3A_464 : vector<1024x1xi32> to vector<1024x512xi32>
    %eq3A_466 = arith.cmpi eq, %select_n3A_461, %eq3A_465 : vector<1024x512xi32>
    %jit3A_467 = arith.constant 512 : i32
    %broadcast_in_dim3A_468 = vector.broadcast %jit3A_467 : i32 to vector<1024x512xi32>
    %select_n3A_469 = arith.select %eq3A_466, %iota3A, %broadcast_in_dim3A_468 : vector<1024x512xi1>, vector<1024x512xi32>
    %reduce_min3A_470 = arith.constant dense<2147483647> : vector<1024xi32>
    %reduce_min3A_471 = vector.multi_reduction <minsi>, %select_n3A_469, %reduce_min3A_470 [1] : vector<1024x512xi32> to vector<1024xi32>
    %broadcast_in_dim3A_472 = vector.shape_cast %reduce_min3A_471 : vector<1024xi32> to vector<1024x1xi32>
    %add3A_473 = arith.addi %mul3A_31, %broadcast_in_dim3A_472 : vector<1024x1xi32>
    %swap3A_474 = arith.constant 0 : index
    %swap3A_475 = arith.constant 14 : index
    %swap3A_476 = vector.load %arg5[%swap3A_474, %swap3A_475] : memref<1024x32xi32, #tpu.memory_space<vmem>>, vector<1024x1xi32>
    tpu.vector_store %arg5[%swap3A_474, %swap3A_475], %add3A_473 {strides = array<i32>} : memref<1024x32xi32, #tpu.memory_space<vmem>>, vector<1024x1xi32>,
    %ge3A_477 = arith.constant 0 : i32
    %ge3A_478 = vector.broadcast %ge3A_477 : i32 to vector<1024x1xi32>
    %ge3A_479 = arith.cmpi sge, %broadcast_in_dim3A_464, %ge3A_478 : vector<1024x1xi32>
    %sub3A_480 = arith.constant -2147483648 : i32
    %sub3A_481 = vector.broadcast %sub3A_480 : i32 to vector<1024x1xi32>
    %sub3A_482 = arith.subi %sub3A_481, %broadcast_in_dim3A_464 : vector<1024x1xi32>
    %select_n3A_483 = arith.select %ge3A_479, %broadcast_in_dim3A_464, %sub3A_482 : vector<1024x1xi1>, vector<1024x1xi32>
    %bitcast_convert_type3A_484 = tpu.bitcast %select_n3A_483 : vector<1024x1xi32> -> vector<1024x1xf32>
    %swap3A_485 = arith.constant 0 : index
    %swap3A_486 = arith.constant 14 : index
    %swap3A_487 = vector.load %arg6[%swap3A_485, %swap3A_486] : memref<1024x32xf32, #tpu.memory_space<vmem>>, vector<1024x1xf32>
    tpu.vector_store %arg6[%swap3A_485, %swap3A_486], %bitcast_convert_type3A_484 {strides = array<i32>} : memref<1024x32xf32, #tpu.memory_space<vmem>>, vector<1024x1xf32>,
    %eq3A_488 = vector.broadcast %broadcast_in_dim3A_472 : vector<1024x1xi32> to vector<1024x512xi32>
    %eq3A_489 = arith.cmpi eq, %iota3A, %eq3A_488 : vector<1024x512xi32>
    %jit3A_490 = arith.constant -2147483648 : i32
    %broadcast_in_dim3A_491 = vector.broadcast %jit3A_490 : i32 to vector<1024x512xi32>
    %select_n3A_492 = arith.select %eq3A_489, %broadcast_in_dim3A_491, %select_n3A_461 : vector<1024x512xi1>, vector<1024x512xi32>
    %reduce_max3A_493 = arith.constant dense<-2147483648> : vector<1024xi32>
    %reduce_max3A_494 = vector.multi_reduction <maxsi>, %select_n3A_492, %reduce_max3A_493 [1] : vector<1024x512xi32> to vector<1024xi32>
    %broadcast_in_dim3A_495 = vector.shape_cast %reduce_max3A_494 : vector<1024xi32> to vector<1024x1xi32>
    %eq3A_496 = vector.broadcast %broadcast_in_dim3A_495 : vector<1024x1xi32> to vector<1024x512xi32>
    %eq3A_497 = arith.cmpi eq, %select_n3A_492, %eq3A_496 : vector<1024x512xi32>
    %jit3A_498 = arith.constant 512 : i32
    %broadcast_in_dim3A_499 = vector.broadcast %jit3A_498 : i32 to vector<1024x512xi32>
    %select_n3A_500 = arith.select %eq3A_497, %iota3A, %broadcast_in_dim3A_499 : vector<1024x512xi1>, vector<1024x512xi32>
    %reduce_min3A_501 = arith.constant dense<2147483647> : vector<1024xi32>
    %reduce_min3A_502 = vector.multi_reduction <minsi>, %select_n3A_500, %reduce_min3A_501 [1] : vector<1024x512xi32> to vector<1024xi32>
    %broadcast_in_dim3A_503 = vector.shape_cast %reduce_min3A_502 : vector<1024xi32> to vector<1024x1xi32>
    %add3A_504 = arith.addi %mul3A_31, %broadcast_in_dim3A_503 : vector<1024x1xi32>
    %swap3A_505 = arith.constant 0 : index
    %swap3A_506 = arith.constant 15 : index
    %swap3A_507 = vector.load %arg5[%swap3A_505, %swap3A_506] : memref<1024x32xi32, #tpu.memory_space<vmem>>, vector<1024x1xi32>
    tpu.vector_store %arg5[%swap3A_505, %swap3A_506], %add3A_504 {strides = array<i32>} : memref<1024x32xi32, #tpu.memory_space<vmem>>, vector<1024x1xi32>,
    %ge3A_508 = arith.constant 0 : i32
    %ge3A_509 = vector.broadcast %ge3A_508 : i32 to vector<1024x1xi32>
    %ge3A_510 = arith.cmpi sge, %broadcast_in_dim3A_495, %ge3A_509 : vector<1024x1xi32>
    %sub3A_511 = arith.constant -2147483648 : i32
    %sub3A_512 = vector.broadcast %sub3A_511 : i32 to vector<1024x1xi32>
    %sub3A_513 = arith.subi %sub3A_512, %broadcast_in_dim3A_495 : vector<1024x1xi32>
    %select_n3A_514 = arith.select %ge3A_510, %broadcast_in_dim3A_495, %sub3A_513 : vector<1024x1xi1>, vector<1024x1xi32>
    %bitcast_convert_type3A_515 = tpu.bitcast %select_n3A_514 : vector<1024x1xi32> -> vector<1024x1xf32>
    %swap3A_516 = arith.constant 0 : index
    %swap3A_517 = arith.constant 15 : index
    %swap3A_518 = vector.load %arg6[%swap3A_516, %swap3A_517] : memref<1024x32xf32, #tpu.memory_space<vmem>>, vector<1024x1xf32>
    tpu.vector_store %arg6[%swap3A_516, %swap3A_517], %bitcast_convert_type3A_515 {strides = array<i32>} : memref<1024x32xf32, #tpu.memory_space<vmem>>, vector<1024x1xf32>,
    %eq3A_519 = vector.broadcast %broadcast_in_dim3A_503 : vector<1024x1xi32> to vector<1024x512xi32>
    %eq3A_520 = arith.cmpi eq, %iota3A, %eq3A_519 : vector<1024x512xi32>
    %jit3A_521 = arith.constant -2147483648 : i32
    %broadcast_in_dim3A_522 = vector.broadcast %jit3A_521 : i32 to vector<1024x512xi32>
    %select_n3A_523 = arith.select %eq3A_520, %broadcast_in_dim3A_522, %select_n3A_492 : vector<1024x512xi1>, vector<1024x512xi32>
    %reduce_max3A_524 = arith.constant dense<-2147483648> : vector<1024xi32>
    %reduce_max3A_525 = vector.multi_reduction <maxsi>, %select_n3A_523, %reduce_max3A_524 [1] : vector<1024x512xi32> to vector<1024xi32>
    %broadcast_in_dim3A_526 = vector.shape_cast %reduce_max3A_525 : vector<1024xi32> to vector<1024x1xi32>
    %eq3A_527 = vector.broadcast %broadcast_in_dim3A_526 : vector<1024x1xi32> to vector<1024x512xi32>
    %eq3A_528 = arith.cmpi eq, %select_n3A_523, %eq3A_527 : vector<1024x512xi32>
    %jit3A_529 = arith.constant 512 : i32
    %broadcast_in_dim3A_530 = vector.broadcast %jit3A_529 : i32 to vector<1024x512xi32>
    %select_n3A_531 = arith.select %eq3A_528, %iota3A, %broadcast_in_dim3A_530 : vector<1024x512xi1>, vector<1024x512xi32>
    %reduce_min3A_532 = arith.constant dense<2147483647> : vector<1024xi32>
    %reduce_min3A_533 = vector.multi_reduction <minsi>, %select_n3A_531, %reduce_min3A_532 [1] : vector<1024x512xi32> to vector<1024xi32>
    %broadcast_in_dim3A_534 = vector.shape_cast %reduce_min3A_533 : vector<1024xi32> to vector<1024x1xi32>
    %add3A_535 = arith.addi %mul3A_31, %broadcast_in_dim3A_534 : vector<1024x1xi32>
    %swap3A_536 = arith.constant 0 : index
    %swap3A_537 = arith.constant 16 : index
    %swap3A_538 = vector.load %arg5[%swap3A_536, %swap3A_537] : memref<1024x32xi32, #tpu.memory_space<vmem>>, vector<1024x1xi32>
    tpu.vector_store %arg5[%swap3A_536, %swap3A_537], %add3A_535 {strides = array<i32>} : memref<1024x32xi32, #tpu.memory_space<vmem>>, vector<1024x1xi32>,
    %ge3A_539 = arith.constant 0 : i32
    %ge3A_540 = vector.broadcast %ge3A_539 : i32 to vector<1024x1xi32>
    %ge3A_541 = arith.cmpi sge, %broadcast_in_dim3A_526, %ge3A_540 : vector<1024x1xi32>
    %sub3A_542 = arith.constant -2147483648 : i32
    %sub3A_543 = vector.broadcast %sub3A_542 : i32 to vector<1024x1xi32>
    %sub3A_544 = arith.subi %sub3A_543, %broadcast_in_dim3A_526 : vector<1024x1xi32>
    %select_n3A_545 = arith.select %ge3A_541, %broadcast_in_dim3A_526, %sub3A_544 : vector<1024x1xi1>, vector<1024x1xi32>
    %bitcast_convert_type3A_546 = tpu.bitcast %select_n3A_545 : vector<1024x1xi32> -> vector<1024x1xf32>
    %swap3A_547 = arith.constant 0 : index
    %swap3A_548 = arith.constant 16 : index
    %swap3A_549 = vector.load %arg6[%swap3A_547, %swap3A_548] : memref<1024x32xf32, #tpu.memory_space<vmem>>, vector<1024x1xf32>
    tpu.vector_store %arg6[%swap3A_547, %swap3A_548], %bitcast_convert_type3A_546 {strides = array<i32>} : memref<1024x32xf32, #tpu.memory_space<vmem>>, vector<1024x1xf32>,
    %eq3A_550 = vector.broadcast %broadcast_in_dim3A_534 : vector<1024x1xi32> to vector<1024x512xi32>
    %eq3A_551 = arith.cmpi eq, %iota3A, %eq3A_550 : vector<1024x512xi32>
    %jit3A_552 = arith.constant -2147483648 : i32
    %broadcast_in_dim3A_553 = vector.broadcast %jit3A_552 : i32 to vector<1024x512xi32>
    %select_n3A_554 = arith.select %eq3A_551, %broadcast_in_dim3A_553, %select_n3A_523 : vector<1024x512xi1>, vector<1024x512xi32>
    %reduce_max3A_555 = arith.constant dense<-2147483648> : vector<1024xi32>
    %reduce_max3A_556 = vector.multi_reduction <maxsi>, %select_n3A_554, %reduce_max3A_555 [1] : vector<1024x512xi32> to vector<1024xi32>
    %broadcast_in_dim3A_557 = vector.shape_cast %reduce_max3A_556 : vector<1024xi32> to vector<1024x1xi32>
    %eq3A_558 = vector.broadcast %broadcast_in_dim3A_557 : vector<1024x1xi32> to vector<1024x512xi32>
    %eq3A_559 = arith.cmpi eq, %select_n3A_554, %eq3A_558 : vector<1024x512xi32>
    %jit3A_560 = arith.constant 512 : i32
    %broadcast_in_dim3A_561 = vector.broadcast %jit3A_560 : i32 to vector<1024x512xi32>
    %select_n3A_562 = arith.select %eq3A_559, %iota3A, %broadcast_in_dim3A_561 : vector<1024x512xi1>, vector<1024x512xi32>
    %reduce_min3A_563 = arith.constant dense<2147483647> : vector<1024xi32>
    %reduce_min3A_564 = vector.multi_reduction <minsi>, %select_n3A_562, %reduce_min3A_563 [1] : vector<1024x512xi32> to vector<1024xi32>
    %broadcast_in_dim3A_565 = vector.shape_cast %reduce_min3A_564 : vector<1024xi32> to vector<1024x1xi32>
    %add3A_566 = arith.addi %mul3A_31, %broadcast_in_dim3A_565 : vector<1024x1xi32>
    %swap3A_567 = arith.constant 0 : index
    %swap3A_568 = arith.constant 17 : index
    %swap3A_569 = vector.load %arg5[%swap3A_567, %swap3A_568] : memref<1024x32xi32, #tpu.memory_space<vmem>>, vector<1024x1xi32>
    tpu.vector_store %arg5[%swap3A_567, %swap3A_568], %add3A_566 {strides = array<i32>} : memref<1024x32xi32, #tpu.memory_space<vmem>>, vector<1024x1xi32>,
    %ge3A_570 = arith.constant 0 : i32
    %ge3A_571 = vector.broadcast %ge3A_570 : i32 to vector<1024x1xi32>
    %ge3A_572 = arith.cmpi sge, %broadcast_in_dim3A_557, %ge3A_571 : vector<1024x1xi32>
    %sub3A_573 = arith.constant -2147483648 : i32
    %sub3A_574 = vector.broadcast %sub3A_573 : i32 to vector<1024x1xi32>
    %sub3A_575 = arith.subi %sub3A_574, %broadcast_in_dim3A_557 : vector<1024x1xi32>
    %select_n3A_576 = arith.select %ge3A_572, %broadcast_in_dim3A_557, %sub3A_575 : vector<1024x1xi1>, vector<1024x1xi32>
    %bitcast_convert_type3A_577 = tpu.bitcast %select_n3A_576 : vector<1024x1xi32> -> vector<1024x1xf32>
    %swap3A_578 = arith.constant 0 : index
    %swap3A_579 = arith.constant 17 : index
    %swap3A_580 = vector.load %arg6[%swap3A_578, %swap3A_579] : memref<1024x32xf32, #tpu.memory_space<vmem>>, vector<1024x1xf32>
    tpu.vector_store %arg6[%swap3A_578, %swap3A_579], %bitcast_convert_type3A_577 {strides = array<i32>} : memref<1024x32xf32, #tpu.memory_space<vmem>>, vector<1024x1xf32>,
    %eq3A_581 = vector.broadcast %broadcast_in_dim3A_565 : vector<1024x1xi32> to vector<1024x512xi32>
    %eq3A_582 = arith.cmpi eq, %iota3A, %eq3A_581 : vector<1024x512xi32>
    %jit3A_583 = arith.constant -2147483648 : i32
    %broadcast_in_dim3A_584 = vector.broadcast %jit3A_583 : i32 to vector<1024x512xi32>
    %select_n3A_585 = arith.select %eq3A_582, %broadcast_in_dim3A_584, %select_n3A_554 : vector<1024x512xi1>, vector<1024x512xi32>
    %reduce_max3A_586 = arith.constant dense<-2147483648> : vector<1024xi32>
    %reduce_max3A_587 = vector.multi_reduction <maxsi>, %select_n3A_585, %reduce_max3A_586 [1] : vector<1024x512xi32> to vector<1024xi32>
    %broadcast_in_dim3A_588 = vector.shape_cast %reduce_max3A_587 : vector<1024xi32> to vector<1024x1xi32>
    %eq3A_589 = vector.broadcast %broadcast_in_dim3A_588 : vector<1024x1xi32> to vector<1024x512xi32>
    %eq3A_590 = arith.cmpi eq, %select_n3A_585, %eq3A_589 : vector<1024x512xi32>
    %jit3A_591 = arith.constant 512 : i32
    %broadcast_in_dim3A_592 = vector.broadcast %jit3A_591 : i32 to vector<1024x512xi32>
    %select_n3A_593 = arith.select %eq3A_590, %iota3A, %broadcast_in_dim3A_592 : vector<1024x512xi1>, vector<1024x512xi32>
    %reduce_min3A_594 = arith.constant dense<2147483647> : vector<1024xi32>
    %reduce_min3A_595 = vector.multi_reduction <minsi>, %select_n3A_593, %reduce_min3A_594 [1] : vector<1024x512xi32> to vector<1024xi32>
    %broadcast_in_dim3A_596 = vector.shape_cast %reduce_min3A_595 : vector<1024xi32> to vector<1024x1xi32>
    %add3A_597 = arith.addi %mul3A_31, %broadcast_in_dim3A_596 : vector<1024x1xi32>
    %swap3A_598 = arith.constant 0 : index
    %swap3A_599 = arith.constant 18 : index
    %swap3A_600 = vector.load %arg5[%swap3A_598, %swap3A_599] : memref<1024x32xi32, #tpu.memory_space<vmem>>, vector<1024x1xi32>
    tpu.vector_store %arg5[%swap3A_598, %swap3A_599], %add3A_597 {strides = array<i32>} : memref<1024x32xi32, #tpu.memory_space<vmem>>, vector<1024x1xi32>,
    %ge3A_601 = arith.constant 0 : i32
    %ge3A_602 = vector.broadcast %ge3A_601 : i32 to vector<1024x1xi32>
    %ge3A_603 = arith.cmpi sge, %broadcast_in_dim3A_588, %ge3A_602 : vector<1024x1xi32>
    %sub3A_604 = arith.constant -2147483648 : i32
    %sub3A_605 = vector.broadcast %sub3A_604 : i32 to vector<1024x1xi32>
    %sub3A_606 = arith.subi %sub3A_605, %broadcast_in_dim3A_588 : vector<1024x1xi32>
    %select_n3A_607 = arith.select %ge3A_603, %broadcast_in_dim3A_588, %sub3A_606 : vector<1024x1xi1>, vector<1024x1xi32>
    %bitcast_convert_type3A_608 = tpu.bitcast %select_n3A_607 : vector<1024x1xi32> -> vector<1024x1xf32>
    %swap3A_609 = arith.constant 0 : index
    %swap3A_610 = arith.constant 18 : index
    %swap3A_611 = vector.load %arg6[%swap3A_609, %swap3A_610] : memref<1024x32xf32, #tpu.memory_space<vmem>>, vector<1024x1xf32>
    tpu.vector_store %arg6[%swap3A_609, %swap3A_610], %bitcast_convert_type3A_608 {strides = array<i32>} : memref<1024x32xf32, #tpu.memory_space<vmem>>, vector<1024x1xf32>,
    %eq3A_612 = vector.broadcast %broadcast_in_dim3A_596 : vector<1024x1xi32> to vector<1024x512xi32>
    %eq3A_613 = arith.cmpi eq, %iota3A, %eq3A_612 : vector<1024x512xi32>
    %jit3A_614 = arith.constant -2147483648 : i32
    %broadcast_in_dim3A_615 = vector.broadcast %jit3A_614 : i32 to vector<1024x512xi32>
    %select_n3A_616 = arith.select %eq3A_613, %broadcast_in_dim3A_615, %select_n3A_585 : vector<1024x512xi1>, vector<1024x512xi32>
    %reduce_max3A_617 = arith.constant dense<-2147483648> : vector<1024xi32>
    %reduce_max3A_618 = vector.multi_reduction <maxsi>, %select_n3A_616, %reduce_max3A_617 [1] : vector<1024x512xi32> to vector<1024xi32>
    %broadcast_in_dim3A_619 = vector.shape_cast %reduce_max3A_618 : vector<1024xi32> to vector<1024x1xi32>
    %eq3A_620 = vector.broadcast %broadcast_in_dim3A_619 : vector<1024x1xi32> to vector<1024x512xi32>
    %eq3A_621 = arith.cmpi eq, %select_n3A_616, %eq3A_620 : vector<1024x512xi32>
    %jit3A_622 = arith.constant 512 : i32
    %broadcast_in_dim3A_623 = vector.broadcast %jit3A_622 : i32 to vector<1024x512xi32>
    %select_n3A_624 = arith.select %eq3A_621, %iota3A, %broadcast_in_dim3A_623 : vector<1024x512xi1>, vector<1024x512xi32>
    %reduce_min3A_625 = arith.constant dense<2147483647> : vector<1024xi32>
    %reduce_min3A_626 = vector.multi_reduction <minsi>, %select_n3A_624, %reduce_min3A_625 [1] : vector<1024x512xi32> to vector<1024xi32>
    %broadcast_in_dim3A_627 = vector.shape_cast %reduce_min3A_626 : vector<1024xi32> to vector<1024x1xi32>
    %add3A_628 = arith.addi %mul3A_31, %broadcast_in_dim3A_627 : vector<1024x1xi32>
    %swap3A_629 = arith.constant 0 : index
    %swap3A_630 = arith.constant 19 : index
    %swap3A_631 = vector.load %arg5[%swap3A_629, %swap3A_630] : memref<1024x32xi32, #tpu.memory_space<vmem>>, vector<1024x1xi32>
    tpu.vector_store %arg5[%swap3A_629, %swap3A_630], %add3A_628 {strides = array<i32>} : memref<1024x32xi32, #tpu.memory_space<vmem>>, vector<1024x1xi32>,
    %ge3A_632 = arith.constant 0 : i32
    %ge3A_633 = vector.broadcast %ge3A_632 : i32 to vector<1024x1xi32>
    %ge3A_634 = arith.cmpi sge, %broadcast_in_dim3A_619, %ge3A_633 : vector<1024x1xi32>
    %sub3A_635 = arith.constant -2147483648 : i32
    %sub3A_636 = vector.broadcast %sub3A_635 : i32 to vector<1024x1xi32>
    %sub3A_637 = arith.subi %sub3A_636, %broadcast_in_dim3A_619 : vector<1024x1xi32>
    %select_n3A_638 = arith.select %ge3A_634, %broadcast_in_dim3A_619, %sub3A_637 : vector<1024x1xi1>, vector<1024x1xi32>
    %bitcast_convert_type3A_639 = tpu.bitcast %select_n3A_638 : vector<1024x1xi32> -> vector<1024x1xf32>
    %swap3A_640 = arith.constant 0 : index
    %swap3A_641 = arith.constant 19 : index
    %swap3A_642 = vector.load %arg6[%swap3A_640, %swap3A_641] : memref<1024x32xf32, #tpu.memory_space<vmem>>, vector<1024x1xf32>
    tpu.vector_store %arg6[%swap3A_640, %swap3A_641], %bitcast_convert_type3A_639 {strides = array<i32>} : memref<1024x32xf32, #tpu.memory_space<vmem>>, vector<1024x1xf32>,
    %eq3A_643 = vector.broadcast %broadcast_in_dim3A_627 : vector<1024x1xi32> to vector<1024x512xi32>
    %eq3A_644 = arith.cmpi eq, %iota3A, %eq3A_643 : vector<1024x512xi32>
    %jit3A_645 = arith.constant -2147483648 : i32
    %broadcast_in_dim3A_646 = vector.broadcast %jit3A_645 : i32 to vector<1024x512xi32>
    %select_n3A_647 = arith.select %eq3A_644, %broadcast_in_dim3A_646, %select_n3A_616 : vector<1024x512xi1>, vector<1024x512xi32>
    %reduce_max3A_648 = arith.constant dense<-2147483648> : vector<1024xi32>
    %reduce_max3A_649 = vector.multi_reduction <maxsi>, %select_n3A_647, %reduce_max3A_648 [1] : vector<1024x512xi32> to vector<1024xi32>
    %broadcast_in_dim3A_650 = vector.shape_cast %reduce_max3A_649 : vector<1024xi32> to vector<1024x1xi32>
    %eq3A_651 = vector.broadcast %broadcast_in_dim3A_650 : vector<1024x1xi32> to vector<1024x512xi32>
    %eq3A_652 = arith.cmpi eq, %select_n3A_647, %eq3A_651 : vector<1024x512xi32>
    %jit3A_653 = arith.constant 512 : i32
    %broadcast_in_dim3A_654 = vector.broadcast %jit3A_653 : i32 to vector<1024x512xi32>
    %select_n3A_655 = arith.select %eq3A_652, %iota3A, %broadcast_in_dim3A_654 : vector<1024x512xi1>, vector<1024x512xi32>
    %reduce_min3A_656 = arith.constant dense<2147483647> : vector<1024xi32>
    %reduce_min3A_657 = vector.multi_reduction <minsi>, %select_n3A_655, %reduce_min3A_656 [1] : vector<1024x512xi32> to vector<1024xi32>
    %broadcast_in_dim3A_658 = vector.shape_cast %reduce_min3A_657 : vector<1024xi32> to vector<1024x1xi32>
    %add3A_659 = arith.addi %mul3A_31, %broadcast_in_dim3A_658 : vector<1024x1xi32>
    %swap3A_660 = arith.constant 0 : index
    %swap3A_661 = arith.constant 20 : index
    %swap3A_662 = vector.load %arg5[%swap3A_660, %swap3A_661] : memref<1024x32xi32, #tpu.memory_space<vmem>>, vector<1024x1xi32>
    tpu.vector_store %arg5[%swap3A_660, %swap3A_661], %add3A_659 {strides = array<i32>} : memref<1024x32xi32, #tpu.memory_space<vmem>>, vector<1024x1xi32>,
    %ge3A_663 = arith.constant 0 : i32
    %ge3A_664 = vector.broadcast %ge3A_663 : i32 to vector<1024x1xi32>
    %ge3A_665 = arith.cmpi sge, %broadcast_in_dim3A_650, %ge3A_664 : vector<1024x1xi32>
    %sub3A_666 = arith.constant -2147483648 : i32
    %sub3A_667 = vector.broadcast %sub3A_666 : i32 to vector<1024x1xi32>
    %sub3A_668 = arith.subi %sub3A_667, %broadcast_in_dim3A_650 : vector<1024x1xi32>
    %select_n3A_669 = arith.select %ge3A_665, %broadcast_in_dim3A_650, %sub3A_668 : vector<1024x1xi1>, vector<1024x1xi32>
    %bitcast_convert_type3A_670 = tpu.bitcast %select_n3A_669 : vector<1024x1xi32> -> vector<1024x1xf32>
    %swap3A_671 = arith.constant 0 : index
    %swap3A_672 = arith.constant 20 : index
    %swap3A_673 = vector.load %arg6[%swap3A_671, %swap3A_672] : memref<1024x32xf32, #tpu.memory_space<vmem>>, vector<1024x1xf32>
    tpu.vector_store %arg6[%swap3A_671, %swap3A_672], %bitcast_convert_type3A_670 {strides = array<i32>} : memref<1024x32xf32, #tpu.memory_space<vmem>>, vector<1024x1xf32>,
    %eq3A_674 = vector.broadcast %broadcast_in_dim3A_658 : vector<1024x1xi32> to vector<1024x512xi32>
    %eq3A_675 = arith.cmpi eq, %iota3A, %eq3A_674 : vector<1024x512xi32>
    %jit3A_676 = arith.constant -2147483648 : i32
    %broadcast_in_dim3A_677 = vector.broadcast %jit3A_676 : i32 to vector<1024x512xi32>
    %select_n3A_678 = arith.select %eq3A_675, %broadcast_in_dim3A_677, %select_n3A_647 : vector<1024x512xi1>, vector<1024x512xi32>
    %reduce_max3A_679 = arith.constant dense<-2147483648> : vector<1024xi32>
    %reduce_max3A_680 = vector.multi_reduction <maxsi>, %select_n3A_678, %reduce_max3A_679 [1] : vector<1024x512xi32> to vector<1024xi32>
    %broadcast_in_dim3A_681 = vector.shape_cast %reduce_max3A_680 : vector<1024xi32> to vector<1024x1xi32>
    %eq3A_682 = vector.broadcast %broadcast_in_dim3A_681 : vector<1024x1xi32> to vector<1024x512xi32>
    %eq3A_683 = arith.cmpi eq, %select_n3A_678, %eq3A_682 : vector<1024x512xi32>
    %jit3A_684 = arith.constant 512 : i32
    %broadcast_in_dim3A_685 = vector.broadcast %jit3A_684 : i32 to vector<1024x512xi32>
    %select_n3A_686 = arith.select %eq3A_683, %iota3A, %broadcast_in_dim3A_685 : vector<1024x512xi1>, vector<1024x512xi32>
    %reduce_min3A_687 = arith.constant dense<2147483647> : vector<1024xi32>
    %reduce_min3A_688 = vector.multi_reduction <minsi>, %select_n3A_686, %reduce_min3A_687 [1] : vector<1024x512xi32> to vector<1024xi32>
    %broadcast_in_dim3A_689 = vector.shape_cast %reduce_min3A_688 : vector<1024xi32> to vector<1024x1xi32>
    %add3A_690 = arith.addi %mul3A_31, %broadcast_in_dim3A_689 : vector<1024x1xi32>
    %swap3A_691 = arith.constant 0 : index
    %swap3A_692 = arith.constant 21 : index
    %swap3A_693 = vector.load %arg5[%swap3A_691, %swap3A_692] : memref<1024x32xi32, #tpu.memory_space<vmem>>, vector<1024x1xi32>
    tpu.vector_store %arg5[%swap3A_691, %swap3A_692], %add3A_690 {strides = array<i32>} : memref<1024x32xi32, #tpu.memory_space<vmem>>, vector<1024x1xi32>,
    %ge3A_694 = arith.constant 0 : i32
    %ge3A_695 = vector.broadcast %ge3A_694 : i32 to vector<1024x1xi32>
    %ge3A_696 = arith.cmpi sge, %broadcast_in_dim3A_681, %ge3A_695 : vector<1024x1xi32>
    %sub3A_697 = arith.constant -2147483648 : i32
    %sub3A_698 = vector.broadcast %sub3A_697 : i32 to vector<1024x1xi32>
    %sub3A_699 = arith.subi %sub3A_698, %broadcast_in_dim3A_681 : vector<1024x1xi32>
    %select_n3A_700 = arith.select %ge3A_696, %broadcast_in_dim3A_681, %sub3A_699 : vector<1024x1xi1>, vector<1024x1xi32>
    %bitcast_convert_type3A_701 = tpu.bitcast %select_n3A_700 : vector<1024x1xi32> -> vector<1024x1xf32>
    %swap3A_702 = arith.constant 0 : index
    %swap3A_703 = arith.constant 21 : index
    %swap3A_704 = vector.load %arg6[%swap3A_702, %swap3A_703] : memref<1024x32xf32, #tpu.memory_space<vmem>>, vector<1024x1xf32>
    tpu.vector_store %arg6[%swap3A_702, %swap3A_703], %bitcast_convert_type3A_701 {strides = array<i32>} : memref<1024x32xf32, #tpu.memory_space<vmem>>, vector<1024x1xf32>,
    %eq3A_705 = vector.broadcast %broadcast_in_dim3A_689 : vector<1024x1xi32> to vector<1024x512xi32>
    %eq3A_706 = arith.cmpi eq, %iota3A, %eq3A_705 : vector<1024x512xi32>
    %jit3A_707 = arith.constant -2147483648 : i32
    %broadcast_in_dim3A_708 = vector.broadcast %jit3A_707 : i32 to vector<1024x512xi32>
    %select_n3A_709 = arith.select %eq3A_706, %broadcast_in_dim3A_708, %select_n3A_678 : vector<1024x512xi1>, vector<1024x512xi32>
    %reduce_max3A_710 = arith.constant dense<-2147483648> : vector<1024xi32>
    %reduce_max3A_711 = vector.multi_reduction <maxsi>, %select_n3A_709, %reduce_max3A_710 [1] : vector<1024x512xi32> to vector<1024xi32>
    %broadcast_in_dim3A_712 = vector.shape_cast %reduce_max3A_711 : vector<1024xi32> to vector<1024x1xi32>
    %eq3A_713 = vector.broadcast %broadcast_in_dim3A_712 : vector<1024x1xi32> to vector<1024x512xi32>
    %eq3A_714 = arith.cmpi eq, %select_n3A_709, %eq3A_713 : vector<1024x512xi32>
    %jit3A_715 = arith.constant 512 : i32
    %broadcast_in_dim3A_716 = vector.broadcast %jit3A_715 : i32 to vector<1024x512xi32>
    %select_n3A_717 = arith.select %eq3A_714, %iota3A, %broadcast_in_dim3A_716 : vector<1024x512xi1>, vector<1024x512xi32>
    %reduce_min3A_718 = arith.constant dense<2147483647> : vector<1024xi32>
    %reduce_min3A_719 = vector.multi_reduction <minsi>, %select_n3A_717, %reduce_min3A_718 [1] : vector<1024x512xi32> to vector<1024xi32>
    %broadcast_in_dim3A_720 = vector.shape_cast %reduce_min3A_719 : vector<1024xi32> to vector<1024x1xi32>
    %add3A_721 = arith.addi %mul3A_31, %broadcast_in_dim3A_720 : vector<1024x1xi32>
    %swap3A_722 = arith.constant 0 : index
    %swap3A_723 = arith.constant 22 : index
    %swap3A_724 = vector.load %arg5[%swap3A_722, %swap3A_723] : memref<1024x32xi32, #tpu.memory_space<vmem>>, vector<1024x1xi32>
    tpu.vector_store %arg5[%swap3A_722, %swap3A_723], %add3A_721 {strides = array<i32>} : memref<1024x32xi32, #tpu.memory_space<vmem>>, vector<1024x1xi32>,
    %ge3A_725 = arith.constant 0 : i32
    %ge3A_726 = vector.broadcast %ge3A_725 : i32 to vector<1024x1xi32>
    %ge3A_727 = arith.cmpi sge, %broadcast_in_dim3A_712, %ge3A_726 : vector<1024x1xi32>
    %sub3A_728 = arith.constant -2147483648 : i32
    %sub3A_729 = vector.broadcast %sub3A_728 : i32 to vector<1024x1xi32>
    %sub3A_730 = arith.subi %sub3A_729, %broadcast_in_dim3A_712 : vector<1024x1xi32>
    %select_n3A_731 = arith.select %ge3A_727, %broadcast_in_dim3A_712, %sub3A_730 : vector<1024x1xi1>, vector<1024x1xi32>
    %bitcast_convert_type3A_732 = tpu.bitcast %select_n3A_731 : vector<1024x1xi32> -> vector<1024x1xf32>
    %swap3A_733 = arith.constant 0 : index
    %swap3A_734 = arith.constant 22 : index
    %swap3A_735 = vector.load %arg6[%swap3A_733, %swap3A_734] : memref<1024x32xf32, #tpu.memory_space<vmem>>, vector<1024x1xf32>
    tpu.vector_store %arg6[%swap3A_733, %swap3A_734], %bitcast_convert_type3A_732 {strides = array<i32>} : memref<1024x32xf32, #tpu.memory_space<vmem>>, vector<1024x1xf32>,
    %eq3A_736 = vector.broadcast %broadcast_in_dim3A_720 : vector<1024x1xi32> to vector<1024x512xi32>
    %eq3A_737 = arith.cmpi eq, %iota3A, %eq3A_736 : vector<1024x512xi32>
    %jit3A_738 = arith.constant -2147483648 : i32
    %broadcast_in_dim3A_739 = vector.broadcast %jit3A_738 : i32 to vector<1024x512xi32>
    %select_n3A_740 = arith.select %eq3A_737, %broadcast_in_dim3A_739, %select_n3A_709 : vector<1024x512xi1>, vector<1024x512xi32>
    %reduce_max3A_741 = arith.constant dense<-2147483648> : vector<1024xi32>
    %reduce_max3A_742 = vector.multi_reduction <maxsi>, %select_n3A_740, %reduce_max3A_741 [1] : vector<1024x512xi32> to vector<1024xi32>
    %broadcast_in_dim3A_743 = vector.shape_cast %reduce_max3A_742 : vector<1024xi32> to vector<1024x1xi32>
    %eq3A_744 = vector.broadcast %broadcast_in_dim3A_743 : vector<1024x1xi32> to vector<1024x512xi32>
    %eq3A_745 = arith.cmpi eq, %select_n3A_740, %eq3A_744 : vector<1024x512xi32>
    %jit3A_746 = arith.constant 512 : i32
    %broadcast_in_dim3A_747 = vector.broadcast %jit3A_746 : i32 to vector<1024x512xi32>
    %select_n3A_748 = arith.select %eq3A_745, %iota3A, %broadcast_in_dim3A_747 : vector<1024x512xi1>, vector<1024x512xi32>
    %reduce_min3A_749 = arith.constant dense<2147483647> : vector<1024xi32>
    %reduce_min3A_750 = vector.multi_reduction <minsi>, %select_n3A_748, %reduce_min3A_749 [1] : vector<1024x512xi32> to vector<1024xi32>
    %broadcast_in_dim3A_751 = vector.shape_cast %reduce_min3A_750 : vector<1024xi32> to vector<1024x1xi32>
    %add3A_752 = arith.addi %mul3A_31, %broadcast_in_dim3A_751 : vector<1024x1xi32>
    %swap3A_753 = arith.constant 0 : index
    %swap3A_754 = arith.constant 23 : index
    %swap3A_755 = vector.load %arg5[%swap3A_753, %swap3A_754] : memref<1024x32xi32, #tpu.memory_space<vmem>>, vector<1024x1xi32>
    tpu.vector_store %arg5[%swap3A_753, %swap3A_754], %add3A_752 {strides = array<i32>} : memref<1024x32xi32, #tpu.memory_space<vmem>>, vector<1024x1xi32>,
    %ge3A_756 = arith.constant 0 : i32
    %ge3A_757 = vector.broadcast %ge3A_756 : i32 to vector<1024x1xi32>
    %ge3A_758 = arith.cmpi sge, %broadcast_in_dim3A_743, %ge3A_757 : vector<1024x1xi32>
    %sub3A_759 = arith.constant -2147483648 : i32
    %sub3A_760 = vector.broadcast %sub3A_759 : i32 to vector<1024x1xi32>
    %sub3A_761 = arith.subi %sub3A_760, %broadcast_in_dim3A_743 : vector<1024x1xi32>
    %select_n3A_762 = arith.select %ge3A_758, %broadcast_in_dim3A_743, %sub3A_761 : vector<1024x1xi1>, vector<1024x1xi32>
    %bitcast_convert_type3A_763 = tpu.bitcast %select_n3A_762 : vector<1024x1xi32> -> vector<1024x1xf32>
    %swap3A_764 = arith.constant 0 : index
    %swap3A_765 = arith.constant 23 : index
    %swap3A_766 = vector.load %arg6[%swap3A_764, %swap3A_765] : memref<1024x32xf32, #tpu.memory_space<vmem>>, vector<1024x1xf32>
    tpu.vector_store %arg6[%swap3A_764, %swap3A_765], %bitcast_convert_type3A_763 {strides = array<i32>} : memref<1024x32xf32, #tpu.memory_space<vmem>>, vector<1024x1xf32>,
    %eq3A_767 = vector.broadcast %broadcast_in_dim3A_751 : vector<1024x1xi32> to vector<1024x512xi32>
    %eq3A_768 = arith.cmpi eq, %iota3A, %eq3A_767 : vector<1024x512xi32>
    %jit3A_769 = arith.constant -2147483648 : i32
    %broadcast_in_dim3A_770 = vector.broadcast %jit3A_769 : i32 to vector<1024x512xi32>
    %select_n3A_771 = arith.select %eq3A_768, %broadcast_in_dim3A_770, %select_n3A_740 : vector<1024x512xi1>, vector<1024x512xi32>
    %reduce_max3A_772 = arith.constant dense<-2147483648> : vector<1024xi32>
    %reduce_max3A_773 = vector.multi_reduction <maxsi>, %select_n3A_771, %reduce_max3A_772 [1] : vector<1024x512xi32> to vector<1024xi32>
    %broadcast_in_dim3A_774 = vector.shape_cast %reduce_max3A_773 : vector<1024xi32> to vector<1024x1xi32>
    %eq3A_775 = vector.broadcast %broadcast_in_dim3A_774 : vector<1024x1xi32> to vector<1024x512xi32>
    %eq3A_776 = arith.cmpi eq, %select_n3A_771, %eq3A_775 : vector<1024x512xi32>
    %jit3A_777 = arith.constant 512 : i32
    %broadcast_in_dim3A_778 = vector.broadcast %jit3A_777 : i32 to vector<1024x512xi32>
    %select_n3A_779 = arith.select %eq3A_776, %iota3A, %broadcast_in_dim3A_778 : vector<1024x512xi1>, vector<1024x512xi32>
    %reduce_min3A_780 = arith.constant dense<2147483647> : vector<1024xi32>
    %reduce_min3A_781 = vector.multi_reduction <minsi>, %select_n3A_779, %reduce_min3A_780 [1] : vector<1024x512xi32> to vector<1024xi32>
    %broadcast_in_dim3A_782 = vector.shape_cast %reduce_min3A_781 : vector<1024xi32> to vector<1024x1xi32>
    %add3A_783 = arith.addi %mul3A_31, %broadcast_in_dim3A_782 : vector<1024x1xi32>
    %swap3A_784 = arith.constant 0 : index
    %swap3A_785 = arith.constant 24 : index
    %swap3A_786 = vector.load %arg5[%swap3A_784, %swap3A_785] : memref<1024x32xi32, #tpu.memory_space<vmem>>, vector<1024x1xi32>
    tpu.vector_store %arg5[%swap3A_784, %swap3A_785], %add3A_783 {strides = array<i32>} : memref<1024x32xi32, #tpu.memory_space<vmem>>, vector<1024x1xi32>,
    %ge3A_787 = arith.constant 0 : i32
    %ge3A_788 = vector.broadcast %ge3A_787 : i32 to vector<1024x1xi32>
    %ge3A_789 = arith.cmpi sge, %broadcast_in_dim3A_774, %ge3A_788 : vector<1024x1xi32>
    %sub3A_790 = arith.constant -2147483648 : i32
    %sub3A_791 = vector.broadcast %sub3A_790 : i32 to vector<1024x1xi32>
    %sub3A_792 = arith.subi %sub3A_791, %broadcast_in_dim3A_774 : vector<1024x1xi32>
    %select_n3A_793 = arith.select %ge3A_789, %broadcast_in_dim3A_774, %sub3A_792 : vector<1024x1xi1>, vector<1024x1xi32>
    %bitcast_convert_type3A_794 = tpu.bitcast %select_n3A_793 : vector<1024x1xi32> -> vector<1024x1xf32>
    %swap3A_795 = arith.constant 0 : index
    %swap3A_796 = arith.constant 24 : index
    %swap3A_797 = vector.load %arg6[%swap3A_795, %swap3A_796] : memref<1024x32xf32, #tpu.memory_space<vmem>>, vector<1024x1xf32>
    tpu.vector_store %arg6[%swap3A_795, %swap3A_796], %bitcast_convert_type3A_794 {strides = array<i32>} : memref<1024x32xf32, #tpu.memory_space<vmem>>, vector<1024x1xf32>,
    %eq3A_798 = vector.broadcast %broadcast_in_dim3A_782 : vector<1024x1xi32> to vector<1024x512xi32>
    %eq3A_799 = arith.cmpi eq, %iota3A, %eq3A_798 : vector<1024x512xi32>
    %jit3A_800 = arith.constant -2147483648 : i32
    %broadcast_in_dim3A_801 = vector.broadcast %jit3A_800 : i32 to vector<1024x512xi32>
    %select_n3A_802 = arith.select %eq3A_799, %broadcast_in_dim3A_801, %select_n3A_771 : vector<1024x512xi1>, vector<1024x512xi32>
    %reduce_max3A_803 = arith.constant dense<-2147483648> : vector<1024xi32>
    %reduce_max3A_804 = vector.multi_reduction <maxsi>, %select_n3A_802, %reduce_max3A_803 [1] : vector<1024x512xi32> to vector<1024xi32>
    %broadcast_in_dim3A_805 = vector.shape_cast %reduce_max3A_804 : vector<1024xi32> to vector<1024x1xi32>
    %eq3A_806 = vector.broadcast %broadcast_in_dim3A_805 : vector<1024x1xi32> to vector<1024x512xi32>
    %eq3A_807 = arith.cmpi eq, %select_n3A_802, %eq3A_806 : vector<1024x512xi32>
    %jit3A_808 = arith.constant 512 : i32
    %broadcast_in_dim3A_809 = vector.broadcast %jit3A_808 : i32 to vector<1024x512xi32>
    %select_n3A_810 = arith.select %eq3A_807, %iota3A, %broadcast_in_dim3A_809 : vector<1024x512xi1>, vector<1024x512xi32>
    %reduce_min3A_811 = arith.constant dense<2147483647> : vector<1024xi32>
    %reduce_min3A_812 = vector.multi_reduction <minsi>, %select_n3A_810, %reduce_min3A_811 [1] : vector<1024x512xi32> to vector<1024xi32>
    %broadcast_in_dim3A_813 = vector.shape_cast %reduce_min3A_812 : vector<1024xi32> to vector<1024x1xi32>
    %add3A_814 = arith.addi %mul3A_31, %broadcast_in_dim3A_813 : vector<1024x1xi32>
    %swap3A_815 = arith.constant 0 : index
    %swap3A_816 = arith.constant 25 : index
    %swap3A_817 = vector.load %arg5[%swap3A_815, %swap3A_816] : memref<1024x32xi32, #tpu.memory_space<vmem>>, vector<1024x1xi32>
    tpu.vector_store %arg5[%swap3A_815, %swap3A_816], %add3A_814 {strides = array<i32>} : memref<1024x32xi32, #tpu.memory_space<vmem>>, vector<1024x1xi32>,
    %ge3A_818 = arith.constant 0 : i32
    %ge3A_819 = vector.broadcast %ge3A_818 : i32 to vector<1024x1xi32>
    %ge3A_820 = arith.cmpi sge, %broadcast_in_dim3A_805, %ge3A_819 : vector<1024x1xi32>
    %sub3A_821 = arith.constant -2147483648 : i32
    %sub3A_822 = vector.broadcast %sub3A_821 : i32 to vector<1024x1xi32>
    %sub3A_823 = arith.subi %sub3A_822, %broadcast_in_dim3A_805 : vector<1024x1xi32>
    %select_n3A_824 = arith.select %ge3A_820, %broadcast_in_dim3A_805, %sub3A_823 : vector<1024x1xi1>, vector<1024x1xi32>
    %bitcast_convert_type3A_825 = tpu.bitcast %select_n3A_824 : vector<1024x1xi32> -> vector<1024x1xf32>
    %swap3A_826 = arith.constant 0 : index
    %swap3A_827 = arith.constant 25 : index
    %swap3A_828 = vector.load %arg6[%swap3A_826, %swap3A_827] : memref<1024x32xf32, #tpu.memory_space<vmem>>, vector<1024x1xf32>
    tpu.vector_store %arg6[%swap3A_826, %swap3A_827], %bitcast_convert_type3A_825 {strides = array<i32>} : memref<1024x32xf32, #tpu.memory_space<vmem>>, vector<1024x1xf32>,
    %eq3A_829 = vector.broadcast %broadcast_in_dim3A_813 : vector<1024x1xi32> to vector<1024x512xi32>
    %eq3A_830 = arith.cmpi eq, %iota3A, %eq3A_829 : vector<1024x512xi32>
    %jit3A_831 = arith.constant -2147483648 : i32
    %broadcast_in_dim3A_832 = vector.broadcast %jit3A_831 : i32 to vector<1024x512xi32>
    %select_n3A_833 = arith.select %eq3A_830, %broadcast_in_dim3A_832, %select_n3A_802 : vector<1024x512xi1>, vector<1024x512xi32>
    %reduce_max3A_834 = arith.constant dense<-2147483648> : vector<1024xi32>
    %reduce_max3A_835 = vector.multi_reduction <maxsi>, %select_n3A_833, %reduce_max3A_834 [1] : vector<1024x512xi32> to vector<1024xi32>
    %broadcast_in_dim3A_836 = vector.shape_cast %reduce_max3A_835 : vector<1024xi32> to vector<1024x1xi32>
    %eq3A_837 = vector.broadcast %broadcast_in_dim3A_836 : vector<1024x1xi32> to vector<1024x512xi32>
    %eq3A_838 = arith.cmpi eq, %select_n3A_833, %eq3A_837 : vector<1024x512xi32>
    %jit3A_839 = arith.constant 512 : i32
    %broadcast_in_dim3A_840 = vector.broadcast %jit3A_839 : i32 to vector<1024x512xi32>
    %select_n3A_841 = arith.select %eq3A_838, %iota3A, %broadcast_in_dim3A_840 : vector<1024x512xi1>, vector<1024x512xi32>
    %reduce_min3A_842 = arith.constant dense<2147483647> : vector<1024xi32>
    %reduce_min3A_843 = vector.multi_reduction <minsi>, %select_n3A_841, %reduce_min3A_842 [1] : vector<1024x512xi32> to vector<1024xi32>
    %broadcast_in_dim3A_844 = vector.shape_cast %reduce_min3A_843 : vector<1024xi32> to vector<1024x1xi32>
    %add3A_845 = arith.addi %mul3A_31, %broadcast_in_dim3A_844 : vector<1024x1xi32>
    %swap3A_846 = arith.constant 0 : index
    %swap3A_847 = arith.constant 26 : index
    %swap3A_848 = vector.load %arg5[%swap3A_846, %swap3A_847] : memref<1024x32xi32, #tpu.memory_space<vmem>>, vector<1024x1xi32>
    tpu.vector_store %arg5[%swap3A_846, %swap3A_847], %add3A_845 {strides = array<i32>} : memref<1024x32xi32, #tpu.memory_space<vmem>>, vector<1024x1xi32>,
    %ge3A_849 = arith.constant 0 : i32
    %ge3A_850 = vector.broadcast %ge3A_849 : i32 to vector<1024x1xi32>
    %ge3A_851 = arith.cmpi sge, %broadcast_in_dim3A_836, %ge3A_850 : vector<1024x1xi32>
    %sub3A_852 = arith.constant -2147483648 : i32
    %sub3A_853 = vector.broadcast %sub3A_852 : i32 to vector<1024x1xi32>
    %sub3A_854 = arith.subi %sub3A_853, %broadcast_in_dim3A_836 : vector<1024x1xi32>
    %select_n3A_855 = arith.select %ge3A_851, %broadcast_in_dim3A_836, %sub3A_854 : vector<1024x1xi1>, vector<1024x1xi32>
    %bitcast_convert_type3A_856 = tpu.bitcast %select_n3A_855 : vector<1024x1xi32> -> vector<1024x1xf32>
    %swap3A_857 = arith.constant 0 : index
    %swap3A_858 = arith.constant 26 : index
    %swap3A_859 = vector.load %arg6[%swap3A_857, %swap3A_858] : memref<1024x32xf32, #tpu.memory_space<vmem>>, vector<1024x1xf32>
    tpu.vector_store %arg6[%swap3A_857, %swap3A_858], %bitcast_convert_type3A_856 {strides = array<i32>} : memref<1024x32xf32, #tpu.memory_space<vmem>>, vector<1024x1xf32>,
    %eq3A_860 = vector.broadcast %broadcast_in_dim3A_844 : vector<1024x1xi32> to vector<1024x512xi32>
    %eq3A_861 = arith.cmpi eq, %iota3A, %eq3A_860 : vector<1024x512xi32>
    %jit3A_862 = arith.constant -2147483648 : i32
    %broadcast_in_dim3A_863 = vector.broadcast %jit3A_862 : i32 to vector<1024x512xi32>
    %select_n3A_864 = arith.select %eq3A_861, %broadcast_in_dim3A_863, %select_n3A_833 : vector<1024x512xi1>, vector<1024x512xi32>
    %reduce_max3A_865 = arith.constant dense<-2147483648> : vector<1024xi32>
    %reduce_max3A_866 = vector.multi_reduction <maxsi>, %select_n3A_864, %reduce_max3A_865 [1] : vector<1024x512xi32> to vector<1024xi32>
    %broadcast_in_dim3A_867 = vector.shape_cast %reduce_max3A_866 : vector<1024xi32> to vector<1024x1xi32>
    %eq3A_868 = vector.broadcast %broadcast_in_dim3A_867 : vector<1024x1xi32> to vector<1024x512xi32>
    %eq3A_869 = arith.cmpi eq, %select_n3A_864, %eq3A_868 : vector<1024x512xi32>
    %jit3A_870 = arith.constant 512 : i32
    %broadcast_in_dim3A_871 = vector.broadcast %jit3A_870 : i32 to vector<1024x512xi32>
    %select_n3A_872 = arith.select %eq3A_869, %iota3A, %broadcast_in_dim3A_871 : vector<1024x512xi1>, vector<1024x512xi32>
    %reduce_min3A_873 = arith.constant dense<2147483647> : vector<1024xi32>
    %reduce_min3A_874 = vector.multi_reduction <minsi>, %select_n3A_872, %reduce_min3A_873 [1] : vector<1024x512xi32> to vector<1024xi32>
    %broadcast_in_dim3A_875 = vector.shape_cast %reduce_min3A_874 : vector<1024xi32> to vector<1024x1xi32>
    %add3A_876 = arith.addi %mul3A_31, %broadcast_in_dim3A_875 : vector<1024x1xi32>
    %swap3A_877 = arith.constant 0 : index
    %swap3A_878 = arith.constant 27 : index
    %swap3A_879 = vector.load %arg5[%swap3A_877, %swap3A_878] : memref<1024x32xi32, #tpu.memory_space<vmem>>, vector<1024x1xi32>
    tpu.vector_store %arg5[%swap3A_877, %swap3A_878], %add3A_876 {strides = array<i32>} : memref<1024x32xi32, #tpu.memory_space<vmem>>, vector<1024x1xi32>,
    %ge3A_880 = arith.constant 0 : i32
    %ge3A_881 = vector.broadcast %ge3A_880 : i32 to vector<1024x1xi32>
    %ge3A_882 = arith.cmpi sge, %broadcast_in_dim3A_867, %ge3A_881 : vector<1024x1xi32>
    %sub3A_883 = arith.constant -2147483648 : i32
    %sub3A_884 = vector.broadcast %sub3A_883 : i32 to vector<1024x1xi32>
    %sub3A_885 = arith.subi %sub3A_884, %broadcast_in_dim3A_867 : vector<1024x1xi32>
    %select_n3A_886 = arith.select %ge3A_882, %broadcast_in_dim3A_867, %sub3A_885 : vector<1024x1xi1>, vector<1024x1xi32>
    %bitcast_convert_type3A_887 = tpu.bitcast %select_n3A_886 : vector<1024x1xi32> -> vector<1024x1xf32>
    %swap3A_888 = arith.constant 0 : index
    %swap3A_889 = arith.constant 27 : index
    %swap3A_890 = vector.load %arg6[%swap3A_888, %swap3A_889] : memref<1024x32xf32, #tpu.memory_space<vmem>>, vector<1024x1xf32>
    tpu.vector_store %arg6[%swap3A_888, %swap3A_889], %bitcast_convert_type3A_887 {strides = array<i32>} : memref<1024x32xf32, #tpu.memory_space<vmem>>, vector<1024x1xf32>,
    %eq3A_891 = vector.broadcast %broadcast_in_dim3A_875 : vector<1024x1xi32> to vector<1024x512xi32>
    %eq3A_892 = arith.cmpi eq, %iota3A, %eq3A_891 : vector<1024x512xi32>
    %jit3A_893 = arith.constant -2147483648 : i32
    %broadcast_in_dim3A_894 = vector.broadcast %jit3A_893 : i32 to vector<1024x512xi32>
    %select_n3A_895 = arith.select %eq3A_892, %broadcast_in_dim3A_894, %select_n3A_864 : vector<1024x512xi1>, vector<1024x512xi32>
    %reduce_max3A_896 = arith.constant dense<-2147483648> : vector<1024xi32>
    %reduce_max3A_897 = vector.multi_reduction <maxsi>, %select_n3A_895, %reduce_max3A_896 [1] : vector<1024x512xi32> to vector<1024xi32>
    %broadcast_in_dim3A_898 = vector.shape_cast %reduce_max3A_897 : vector<1024xi32> to vector<1024x1xi32>
    %eq3A_899 = vector.broadcast %broadcast_in_dim3A_898 : vector<1024x1xi32> to vector<1024x512xi32>
    %eq3A_900 = arith.cmpi eq, %select_n3A_895, %eq3A_899 : vector<1024x512xi32>
    %jit3A_901 = arith.constant 512 : i32
    %broadcast_in_dim3A_902 = vector.broadcast %jit3A_901 : i32 to vector<1024x512xi32>
    %select_n3A_903 = arith.select %eq3A_900, %iota3A, %broadcast_in_dim3A_902 : vector<1024x512xi1>, vector<1024x512xi32>
    %reduce_min3A_904 = arith.constant dense<2147483647> : vector<1024xi32>
    %reduce_min3A_905 = vector.multi_reduction <minsi>, %select_n3A_903, %reduce_min3A_904 [1] : vector<1024x512xi32> to vector<1024xi32>
    %broadcast_in_dim3A_906 = vector.shape_cast %reduce_min3A_905 : vector<1024xi32> to vector<1024x1xi32>
    %add3A_907 = arith.addi %mul3A_31, %broadcast_in_dim3A_906 : vector<1024x1xi32>
    %swap3A_908 = arith.constant 0 : index
    %swap3A_909 = arith.constant 28 : index
    %swap3A_910 = vector.load %arg5[%swap3A_908, %swap3A_909] : memref<1024x32xi32, #tpu.memory_space<vmem>>, vector<1024x1xi32>
    tpu.vector_store %arg5[%swap3A_908, %swap3A_909], %add3A_907 {strides = array<i32>} : memref<1024x32xi32, #tpu.memory_space<vmem>>, vector<1024x1xi32>,
    %ge3A_911 = arith.constant 0 : i32
    %ge3A_912 = vector.broadcast %ge3A_911 : i32 to vector<1024x1xi32>
    %ge3A_913 = arith.cmpi sge, %broadcast_in_dim3A_898, %ge3A_912 : vector<1024x1xi32>
    %sub3A_914 = arith.constant -2147483648 : i32
    %sub3A_915 = vector.broadcast %sub3A_914 : i32 to vector<1024x1xi32>
    %sub3A_916 = arith.subi %sub3A_915, %broadcast_in_dim3A_898 : vector<1024x1xi32>
    %select_n3A_917 = arith.select %ge3A_913, %broadcast_in_dim3A_898, %sub3A_916 : vector<1024x1xi1>, vector<1024x1xi32>
    %bitcast_convert_type3A_918 = tpu.bitcast %select_n3A_917 : vector<1024x1xi32> -> vector<1024x1xf32>
    %swap3A_919 = arith.constant 0 : index
    %swap3A_920 = arith.constant 28 : index
    %swap3A_921 = vector.load %arg6[%swap3A_919, %swap3A_920] : memref<1024x32xf32, #tpu.memory_space<vmem>>, vector<1024x1xf32>
    tpu.vector_store %arg6[%swap3A_919, %swap3A_920], %bitcast_convert_type3A_918 {strides = array<i32>} : memref<1024x32xf32, #tpu.memory_space<vmem>>, vector<1024x1xf32>,
    %eq3A_922 = vector.broadcast %broadcast_in_dim3A_906 : vector<1024x1xi32> to vector<1024x512xi32>
    %eq3A_923 = arith.cmpi eq, %iota3A, %eq3A_922 : vector<1024x512xi32>
    %jit3A_924 = arith.constant -2147483648 : i32
    %broadcast_in_dim3A_925 = vector.broadcast %jit3A_924 : i32 to vector<1024x512xi32>
    %select_n3A_926 = arith.select %eq3A_923, %broadcast_in_dim3A_925, %select_n3A_895 : vector<1024x512xi1>, vector<1024x512xi32>
    %reduce_max3A_927 = arith.constant dense<-2147483648> : vector<1024xi32>
    %reduce_max3A_928 = vector.multi_reduction <maxsi>, %select_n3A_926, %reduce_max3A_927 [1] : vector<1024x512xi32> to vector<1024xi32>
    %broadcast_in_dim3A_929 = vector.shape_cast %reduce_max3A_928 : vector<1024xi32> to vector<1024x1xi32>
    %eq3A_930 = vector.broadcast %broadcast_in_dim3A_929 : vector<1024x1xi32> to vector<1024x512xi32>
    %eq3A_931 = arith.cmpi eq, %select_n3A_926, %eq3A_930 : vector<1024x512xi32>
    %jit3A_932 = arith.constant 512 : i32
    %broadcast_in_dim3A_933 = vector.broadcast %jit3A_932 : i32 to vector<1024x512xi32>
    %select_n3A_934 = arith.select %eq3A_931, %iota3A, %broadcast_in_dim3A_933 : vector<1024x512xi1>, vector<1024x512xi32>
    %reduce_min3A_935 = arith.constant dense<2147483647> : vector<1024xi32>
    %reduce_min3A_936 = vector.multi_reduction <minsi>, %select_n3A_934, %reduce_min3A_935 [1] : vector<1024x512xi32> to vector<1024xi32>
    %broadcast_in_dim3A_937 = vector.shape_cast %reduce_min3A_936 : vector<1024xi32> to vector<1024x1xi32>
    %add3A_938 = arith.addi %mul3A_31, %broadcast_in_dim3A_937 : vector<1024x1xi32>
    %swap3A_939 = arith.constant 0 : index
    %swap3A_940 = arith.constant 29 : index
    %swap3A_941 = vector.load %arg5[%swap3A_939, %swap3A_940] : memref<1024x32xi32, #tpu.memory_space<vmem>>, vector<1024x1xi32>
    tpu.vector_store %arg5[%swap3A_939, %swap3A_940], %add3A_938 {strides = array<i32>} : memref<1024x32xi32, #tpu.memory_space<vmem>>, vector<1024x1xi32>,
    %ge3A_942 = arith.constant 0 : i32
    %ge3A_943 = vector.broadcast %ge3A_942 : i32 to vector<1024x1xi32>
    %ge3A_944 = arith.cmpi sge, %broadcast_in_dim3A_929, %ge3A_943 : vector<1024x1xi32>
    %sub3A_945 = arith.constant -2147483648 : i32
    %sub3A_946 = vector.broadcast %sub3A_945 : i32 to vector<1024x1xi32>
    %sub3A_947 = arith.subi %sub3A_946, %broadcast_in_dim3A_929 : vector<1024x1xi32>
    %select_n3A_948 = arith.select %ge3A_944, %broadcast_in_dim3A_929, %sub3A_947 : vector<1024x1xi1>, vector<1024x1xi32>
    %bitcast_convert_type3A_949 = tpu.bitcast %select_n3A_948 : vector<1024x1xi32> -> vector<1024x1xf32>
    %swap3A_950 = arith.constant 0 : index
    %swap3A_951 = arith.constant 29 : index
    %swap3A_952 = vector.load %arg6[%swap3A_950, %swap3A_951] : memref<1024x32xf32, #tpu.memory_space<vmem>>, vector<1024x1xf32>
    tpu.vector_store %arg6[%swap3A_950, %swap3A_951], %bitcast_convert_type3A_949 {strides = array<i32>} : memref<1024x32xf32, #tpu.memory_space<vmem>>, vector<1024x1xf32>,
    %eq3A_953 = vector.broadcast %broadcast_in_dim3A_937 : vector<1024x1xi32> to vector<1024x512xi32>
    %eq3A_954 = arith.cmpi eq, %iota3A, %eq3A_953 : vector<1024x512xi32>
    %jit3A_955 = arith.constant -2147483648 : i32
    %broadcast_in_dim3A_956 = vector.broadcast %jit3A_955 : i32 to vector<1024x512xi32>
    %select_n3A_957 = arith.select %eq3A_954, %broadcast_in_dim3A_956, %select_n3A_926 : vector<1024x512xi1>, vector<1024x512xi32>
    %reduce_max3A_958 = arith.constant dense<-2147483648> : vector<1024xi32>
    %reduce_max3A_959 = vector.multi_reduction <maxsi>, %select_n3A_957, %reduce_max3A_958 [1] : vector<1024x512xi32> to vector<1024xi32>
    %broadcast_in_dim3A_960 = vector.shape_cast %reduce_max3A_959 : vector<1024xi32> to vector<1024x1xi32>
    %eq3A_961 = vector.broadcast %broadcast_in_dim3A_960 : vector<1024x1xi32> to vector<1024x512xi32>
    %eq3A_962 = arith.cmpi eq, %select_n3A_957, %eq3A_961 : vector<1024x512xi32>
    %jit3A_963 = arith.constant 512 : i32
    %broadcast_in_dim3A_964 = vector.broadcast %jit3A_963 : i32 to vector<1024x512xi32>
    %select_n3A_965 = arith.select %eq3A_962, %iota3A, %broadcast_in_dim3A_964 : vector<1024x512xi1>, vector<1024x512xi32>
    %reduce_min3A_966 = arith.constant dense<2147483647> : vector<1024xi32>
    %reduce_min3A_967 = vector.multi_reduction <minsi>, %select_n3A_965, %reduce_min3A_966 [1] : vector<1024x512xi32> to vector<1024xi32>
    %broadcast_in_dim3A_968 = vector.shape_cast %reduce_min3A_967 : vector<1024xi32> to vector<1024x1xi32>
    %add3A_969 = arith.addi %mul3A_31, %broadcast_in_dim3A_968 : vector<1024x1xi32>
    %swap3A_970 = arith.constant 0 : index
    %swap3A_971 = arith.constant 30 : index
    %swap3A_972 = vector.load %arg5[%swap3A_970, %swap3A_971] : memref<1024x32xi32, #tpu.memory_space<vmem>>, vector<1024x1xi32>
    tpu.vector_store %arg5[%swap3A_970, %swap3A_971], %add3A_969 {strides = array<i32>} : memref<1024x32xi32, #tpu.memory_space<vmem>>, vector<1024x1xi32>,
    %ge3A_973 = arith.constant 0 : i32
    %ge3A_974 = vector.broadcast %ge3A_973 : i32 to vector<1024x1xi32>
    %ge3A_975 = arith.cmpi sge, %broadcast_in_dim3A_960, %ge3A_974 : vector<1024x1xi32>
    %sub3A_976 = arith.constant -2147483648 : i32
    %sub3A_977 = vector.broadcast %sub3A_976 : i32 to vector<1024x1xi32>
    %sub3A_978 = arith.subi %sub3A_977, %broadcast_in_dim3A_960 : vector<1024x1xi32>
    %select_n3A_979 = arith.select %ge3A_975, %broadcast_in_dim3A_960, %sub3A_978 : vector<1024x1xi1>, vector<1024x1xi32>
    %bitcast_convert_type3A_980 = tpu.bitcast %select_n3A_979 : vector<1024x1xi32> -> vector<1024x1xf32>
    %swap3A_981 = arith.constant 0 : index
    %swap3A_982 = arith.constant 30 : index
    %swap3A_983 = vector.load %arg6[%swap3A_981, %swap3A_982] : memref<1024x32xf32, #tpu.memory_space<vmem>>, vector<1024x1xf32>
    tpu.vector_store %arg6[%swap3A_981, %swap3A_982], %bitcast_convert_type3A_980 {strides = array<i32>} : memref<1024x32xf32, #tpu.memory_space<vmem>>, vector<1024x1xf32>,
    %eq3A_984 = vector.broadcast %broadcast_in_dim3A_968 : vector<1024x1xi32> to vector<1024x512xi32>
    %eq3A_985 = arith.cmpi eq, %iota3A, %eq3A_984 : vector<1024x512xi32>
    %jit3A_986 = arith.constant -2147483648 : i32
    %broadcast_in_dim3A_987 = vector.broadcast %jit3A_986 : i32 to vector<1024x512xi32>
    %select_n3A_988 = arith.select %eq3A_985, %broadcast_in_dim3A_987, %select_n3A_957 : vector<1024x512xi1>, vector<1024x512xi32>
    %reduce_max3A_989 = arith.constant dense<-2147483648> : vector<1024xi32>
    %reduce_max3A_990 = vector.multi_reduction <maxsi>, %select_n3A_988, %reduce_max3A_989 [1] : vector<1024x512xi32> to vector<1024xi32>
    %broadcast_in_dim3A_991 = vector.shape_cast %reduce_max3A_990 : vector<1024xi32> to vector<1024x1xi32>
    %eq3A_992 = vector.broadcast %broadcast_in_dim3A_991 : vector<1024x1xi32> to vector<1024x512xi32>
    %eq3A_993 = arith.cmpi eq, %select_n3A_988, %eq3A_992 : vector<1024x512xi32>
    %jit3A_994 = arith.constant 512 : i32
    %broadcast_in_dim3A_995 = vector.broadcast %jit3A_994 : i32 to vector<1024x512xi32>
    %select_n3A_996 = arith.select %eq3A_993, %iota3A, %broadcast_in_dim3A_995 : vector<1024x512xi1>, vector<1024x512xi32>
    %reduce_min3A_997 = arith.constant dense<2147483647> : vector<1024xi32>
    %reduce_min3A_998 = vector.multi_reduction <minsi>, %select_n3A_996, %reduce_min3A_997 [1] : vector<1024x512xi32> to vector<1024xi32>
    %broadcast_in_dim3A_999 = vector.shape_cast %reduce_min3A_998 : vector<1024xi32> to vector<1024x1xi32>
    %add3A_1000 = arith.addi %mul3A_31, %broadcast_in_dim3A_999 : vector<1024x1xi32>
    %swap3A_1001 = arith.constant 0 : index
    %swap3A_1002 = arith.constant 31 : index
    %swap3A_1003 = vector.load %arg5[%swap3A_1001, %swap3A_1002] : memref<1024x32xi32, #tpu.memory_space<vmem>>, vector<1024x1xi32>
    tpu.vector_store %arg5[%swap3A_1001, %swap3A_1002], %add3A_1000 {strides = array<i32>} : memref<1024x32xi32, #tpu.memory_space<vmem>>, vector<1024x1xi32>,
    %ge3A_1004 = arith.constant 0 : i32
    %ge3A_1005 = vector.broadcast %ge3A_1004 : i32 to vector<1024x1xi32>
    %ge3A_1006 = arith.cmpi sge, %broadcast_in_dim3A_991, %ge3A_1005 : vector<1024x1xi32>
    %sub3A_1007 = arith.constant -2147483648 : i32
    %sub3A_1008 = vector.broadcast %sub3A_1007 : i32 to vector<1024x1xi32>
    %sub3A_1009 = arith.subi %sub3A_1008, %broadcast_in_dim3A_991 : vector<1024x1xi32>
    %select_n3A_1010 = arith.select %ge3A_1006, %broadcast_in_dim3A_991, %sub3A_1009 : vector<1024x1xi1>, vector<1024x1xi32>
    %bitcast_convert_type3A_1011 = tpu.bitcast %select_n3A_1010 : vector<1024x1xi32> -> vector<1024x1xf32>
    %swap3A_1012 = arith.constant 0 : index
    %swap3A_1013 = arith.constant 31 : index
    %swap3A_1014 = vector.load %arg6[%swap3A_1012, %swap3A_1013] : memref<1024x32xf32, #tpu.memory_space<vmem>>, vector<1024x1xf32>
    tpu.vector_store %arg6[%swap3A_1012, %swap3A_1013], %bitcast_convert_type3A_1011 {strides = array<i32>} : memref<1024x32xf32, #tpu.memory_space<vmem>>, vector<1024x1xf32>,
    %get3A_1015 = arith.constant 0 : index
    %get3A_1016 = arith.constant 0 : index
    %get3A_1017 = vector.load %arg6[%get3A_1015, %get3A_1016] : memref<1024x32xf32, #tpu.memory_space<vmem>>, vector<1024x32xf32>
    %reduce_max3A_1018 = arith.constant dense<0xFF800000> : vector<1024xf32>
    %reduce_max3A_1019 = vector.multi_reduction <maximumf>, %get3A_1017, %reduce_max3A_1018 [1] : vector<1024x32xf32> to vector<1024xf32>
    %broadcast_in_dim3A_1020 = vector.shape_cast %reduce_max3A_1019 : vector<1024xf32> to vector<1024x1xf32>
    %sub3A_1021 = vector.broadcast %broadcast_in_dim3A_1020 : vector<1024x1xf32> to vector<1024x32xf32>
    %sub3A_1022 = arith.subf %get3A_1017, %sub3A_1021 : vector<1024x32xf32>
    %exp3A = math.exp %sub3A_1022 : vector<1024x32xf32>
    %reduce_sum3A_1023 = arith.constant dense<0.000000e+00> : vector<1024xf32>
    %reduce_sum3A_1024 = vector.multi_reduction <add>, %exp3A, %reduce_sum3A_1023 [1] : vector<1024x32xf32> to vector<1024xf32>
    %broadcast_in_dim3A_1025 = vector.shape_cast %reduce_sum3A_1024 : vector<1024xf32> to vector<1024x1xf32>
    %div3A = vector.broadcast %broadcast_in_dim3A_1025 : vector<1024x1xf32> to vector<1024x32xf32>
    %div3A_1026 = arith.divf %exp3A, %div3A : vector<1024x32xf32>
    %swap3A_1027 = arith.constant 0 : index
    %swap3A_1028 = arith.constant 0 : index
    %swap3A_1029 = vector.load %arg6[%swap3A_1027, %swap3A_1028] : memref<1024x32xf32, #tpu.memory_space<vmem>>, vector<1024x32xf32>
    tpu.vector_store %arg6[%swap3A_1027, %swap3A_1028], %div3A_1026 {strides = array<i32>} : memref<1024x32xf32, #tpu.memory_space<vmem>>, vector<1024x32xf32>,
    return
  }
  func.func @transform_0(%arg0: i32) -> i32 {
    %c0_i32 = arith.constant 0 : i32
    %c0_i32_0 = arith.constant 0 : i32
    return %c0_i32 : i32
  }
  func.func @transform_1(%arg0: i32) -> (i32, i32) {
    %c0_i32 = arith.constant 0 : i32
    %c0_i32_0 = arith.constant 0 : i32
    return %arg0, %c0_i32 : i32, i32
  }
  func.func @transform_2(%arg0: i32) -> (i32, i32) {
    %c0_i32 = arith.constant 0 : i32
    %c0_i32_0 = arith.constant 0 : i32
    return %arg0, %c0_i32 : i32, i32
  }
  func.func @transform_3(%arg0: i32) -> (i32, i32) {
    %c0_i32 = arith.constant 0 : i32
    %c0_i32_0 = arith.constant 0 : i32
    %c0_i32_1 = arith.constant 0 : i32
    return %c0_i32, %c0_i32_0 : i32, i32
  }
  func.func @transform_4(%arg0: i32) -> (i32, i32) {
    %c0_i32 = arith.constant 0 : i32
    %c0_i32_0 = arith.constant 0 : i32
    return %arg0, %c0_i32 : i32, i32
  }
  func.func @transform_5(%arg0: i32) -> (i32, i32) {
    %c0_i32 = arith.constant 0 : i32
    %c0_i32_0 = arith.constant 0 : i32
    return %arg0, %c0_i32 : i32, i32
  }
}

</mosaic_0001>

<sc_bundles>
// kernel: kernel.4.cloned.1.call-start
scs
__scs_entry_jumppad:
0x0: {  	(pc) =	sbr.rel $0x88, $3  }
0x1: {  	(tag) =	ssettag $0x0;
	lr =	simm.s32 $0x1  }
0x2: {  	[smem:$0x3F9B] =	sst lr;
	_ =	strace $0xD0000000  }
0x3: {  	_ = 	snop  }
0x4: {  	_ = 	snop  }
0x5: {  	_ = 	snop  }
0x6: {  	_ = 	snop  }
0x7: {  	_ = 	snop  }
__scs_overlays_trampoline_lowered:
0x8: {  	[smem:$0x3FAA] =	sst s0  }
0x9: {  	[smem:$0x3FAB] =	sst s1  }
0xa: {  	[smem:$0x3FAC] =	sst s2  }
0xb: {  	[smem:$0x3FAD] =	sst s3  }
0xc: {  	[smem:$0x3FAE] =	sst s4  }
0xd: {  	[smem:$0x3FAF] =	sst s5  }
0xe: {  	[smem:$0x3FB0] =	sst s6  }
0xf: {  	[smem:$0x3FB1] =	sst s7  }
0x10: {  	[smem:$0x3FB2] =	sst s8  }
0x11: {  	[smem:$0x3FB3] =	sst s9;
	s0 =	simm.s32 @!p0 $0x0  }
0x12: {  	s1 =	sld [smem:$0x3F99];
	s0 =	simm.s32 @p0 $0x1  }
0x13: {  	[smem:$0x3FB4] =	sst s0;
	s0 =	simm.s32 @!p1 $0x0  }
0x14: {  	s2 =	sld [smem:$0x3F98];
	s0 =	simm.s32 @p1 $0x1  }
0x15: {  	[smem:$0x3FB5] =	sst s0;
	s0 =	simm.s32 @!p2 $0x0  }
0x16: {  	s3 =	sld [smem:$0x3FDB];
	s0 =	simm.s32 @p2 $0x1  }
0x17: {  	s4 =	simm.s32 $0x1BF5;
	[smem:$0x3FB7] =	sst s0  }
0x18: {  	s0 =	sld [smem:$0x3F9A];
	_ =	swait.ge [sflag:s4], $0x0  }
0x19: {  	s7 =	sld [smem:$0x3F9B]  }
0x1a: {  	s8 =	sadd.s32 $0xFFFFE003, lr  }
0x1b: {  	s9 =	sadd.s32 $0xFFFFFEF7, lr;
	s5 =	simm.s32 $0xFFFFFFFF;
	p2 =	slt.u32 s8, $0xFFFFF086  }
0x1c: {  	p1 =	slt.u32 s9, $0xF7A;
	s5 =	simm.s32 @!p2 $0x0  }
0x1d: {  	s5 =	simm.s32 @p1 $0x1;
	p0 =	seq.s32 s7, s2  }
0x1e: {  	s7 =	smul.u32 @!p0 $0xF7A, s2;
	p2 =	seq.s32 @!p0 s5, $0x0  }
0x1f: {  	s9 =	smul.u32 $0xF7A, s1;
	s8 =	simm.s32 @!p0 $0x1BF5;
	p2 =	por !p2, p0  }
0x20: {  	[sflag:s8] =	ssyncset.s32 @!p0 $0xFFFFF086;
	s6 =	sadd.s32 @!p0 s3, s7;
	s7 =	simm.s32 @!p0 $0x108  }
0x21: {  	s3 =	sadd.s32 s3, s9;
	s6 =	sadd.s32 @!p0 $0x88, s6;
	s7 =	simm.s32 @p2 $0x1082  }
0x22: {  	[simem:s7], [sflag:s8] =	dma.local @!p0 [hbm:s6], $0xF7A  }
0x23: {  	s9 =	sor.u32 $0xD0000000, s2;
	s6 =	simm.s32 $0x108;
	_ =	swait.ge @!p0 [sflag:s8], $0x0  }
0x24: {  	s3 =	sadd.s32 $0x88, s3;
	s6 =	simm.s32 @!p1 $0x1082;
	[sflag:s4] =	ssyncset.s32 $0xFFFFF086  }
0x25: {  	[simem:s6], [sflag:s4] =	dma.local [hbm:s3], $0xF7A  }
0x26: {  	[smem:$0x3F9B] =	sst s1;
	(tag) =	ssettag s2;
	_ =	strace s9  }
0x27: {  	s1 =	sld [smem:$0x3FAB]  }
0x28: {  	s2 =	sld [smem:$0x3FAC]  }
0x29: {  	s4 =	sld [smem:$0x3FAE]  }
0x2a: {  	p0 =	seq.s32 s5, $0x0;
	s5 =	sld [smem:$0x3FAF]  }
0x2b: {  	s6 =	sld [smem:$0x3FB0]  }
0x2c: {  	s7 =	sld [smem:$0x3FB1]  }
0x2d: {  	s3 =	simm.s32 $0x108;
	s8 =	sld [smem:$0x3FB2]  }
0x2e: {  	s3 =	simm.s32 @!p0 $0x1082;
	s9 =	sld [smem:$0x3FB3]  }
0x2f: {  	lr =	sadd.s32 s0, s3;
	s0 =	sld [smem:$0x3FAA]  }
0x30: {  	s3 =	sld [smem:$0x3FAD]  }
0x31: {  	[smem:$0x3FB6] =	sst s10  }
0x32: {  	s10 =	sld [smem:$0x3FB4];
	_ =	sdelay $0x3  }
0x33: {  	p0 =	seq.s32 s10, $0x1;
	s10 =	sld [smem:$0x3FB6];
	_ =	sdelay $0x3  }
0x34: {  	[smem:$0x3FB6] =	sst s10  }
0x35: {  	s10 =	sld [smem:$0x3FB5];
	_ =	sdelay $0x3  }
0x36: {  	p1 =	seq.s32 s10, $0x1;
	s10 =	sld [smem:$0x3FB6];
	_ =	sdelay $0x3  }
0x37: {  	[smem:$0x3FB6] =	sst s10  }
0x38: {  	s10 =	sld [smem:$0x3FB7]  }
0x39: {  	_ = 	snop;
	(pc) =	sbr.ind lr, $3  }
0x3a: {  	_ = 	snop  }
0x3b: {  	_ = 	snop  }
0x3c: {  	p2 =	seq.s32 s10, $0x1;
	s10 =	sld [smem:$0x3FB6]  }
0x3d: {  	_ =	shalt  }
0x3e: {  	_ =	shalt  }
0x3f: {  	_ =	shalt  }
0x40: {  	_ =	shalt  }
0x41: {  	_ =	shalt  }
0x42: {  	_ =	shalt  }
0x43: {  	_ =	shalt  }
0x44: {  	_ =	shalt  }
0x45: {  	_ =	shalt  }
0x46: {  	_ =	shalt  }
0x47: {  	_ =	shalt  }
0x48: {  	_ =	shalt  }
0x49: {  	_ =	shalt  }
0x4a: {  	_ =	shalt  }
0x4b: {  	_ =	shalt  }
0x4c: {  	_ =	shalt  }
0x4d: {  	_ =	shalt  }
0x4e: {  	_ =	shalt  }
0x4f: {  	_ =	shalt  }
0x50: {  	_ =	shalt  }
0x51: {  	_ =	shalt  }
0x52: {  	_ =	shalt  }
0x53: {  	_ =	shalt  }
0x54: {  	_ =	shalt  }
0x55: {  	_ =	shalt  }
0x56: {  	_ =	shalt  }
0x57: {  	_ =	shalt  }
0x58: {  	_ =	shalt  }
0x59: {  	_ =	shalt  }
0x5a: {  	_ =	shalt  }
0x5b: {  	_ =	shalt  }
0x5c: {  	_ =	shalt  }
0x5d: {  	_ =	shalt  }
0x5e: {  	_ =	shalt  }
0x5f: {  	_ =	shalt  }
0x60: {  	_ =	shalt  }
0x61: {  	_ =	shalt  }
0x62: {  	_ =	shalt  }
0x63: {  	_ =	shalt  }
0x64: {  	_ =	shalt  }
0x65: {  	_ =	shalt  }
0x66: {  	_ =	shalt  }
0x67: {  	_ =	shalt  }
0x68: {  	_ =	shalt  }
0x69: {  	_ =	shalt  }
0x6a: {  	_ =	shalt  }
0x6b: {  	_ =	shalt  }
0x6c: {  	_ =	shalt  }
0x6d: {  	_ =	shalt  }
0x6e: {  	_ =	shalt  }
0x6f: {  	_ =	shalt  }
0x70: {  	_ =	shalt  }
0x71: {  	_ =	shalt  }
0x72: {  	_ =	shalt  }
0x73: {  	_ =	shalt  }
0x74: {  	_ =	shalt  }
0x75: {  	_ =	shalt  }
0x76: {  	_ =	shalt  }
0x77: {  	_ =	shalt  }
0x78: {  	_ =	shalt  }
0x79: {  	_ =	shalt  }
0x7a: {  	_ =	shalt  }
0x7b: {  	_ =	shalt  }
0x7c: {  	_ =	shalt  }
0x7d: {  	_ =	shalt  }
0x7e: {  	_ =	shalt  }
0x7f: {  	_ =	shalt  }
0x80: {  	_ =	shalt  }
0x81: {  	_ =	shalt  }
0x82: {  	_ =	shalt  }
0x83: {  	_ =	shalt  }
0x84: {  	_ =	shalt  }
0x85: {  	_ =	shalt  }
0x86: {  	_ =	shalt  }
0x87: {  	_ =	shalt  }
.Lfunc_end0:
.L_simem_size_0:
called_computation.2_lowered:
.L_overlay_start_0:
0x88: {  	s2 =	sld [smem:$0x3FD9]  }
0x89: {  	s3 =	sld [smem:$0x3FFE];
	_ =	sdelay $0x1  }
0x8a: {  	s1 =	srdreg.scid  }
0x8b: {  	s0 =	sand.u32 $0x1, s1  }
0x8c: {  	s14 =	sshll.u32 s0, $0xA;
	s2 =	sadd.s32 s3, s2  }
0x8d: {  	s2 =	sadd.s32 s2, s14  }
0x8e: {  	[smem:$0x3FC2] =	sst s2  }
0x8f: {  	_ = 	snop  }
0x90: {  	s2 =	sld [smem:$0x3FD0];
	_ =	sdelay $0x2  }
0x91: {  	s15 =	simm.s32 $0xB;
	s4 =	simm.s32 $0x10  }
0x92: {  	[smem:s4], [sflag:s15] =	dma.local [hbm:s2], $0x1  }
0x93: {  	_ =	swait.eq [sflag:s15], $0x1  }
0x94: {  	[sflag:s15] =	ssyncset.done $0x0  }
0x95: {  	s16 =	sld [smem:$0x10];
	[sflag:s15] =	ssyncadd.s32 $0xFFFFFFFF  }
0x96: {  	s17 =	sld [smem:$0x11];
	(tm) =	ssettm $0x1  }
0x97: {  	s18 =	sld [smem:$0x3FFB];
	_ =	sdelay $0x3  }
0x98: {  	_ =	strace s18  }
0x99: {  	s4 =	sld [smem:$0x3FFC];
	_ =	sdelay $0x3  }
0x9a: {  	_ =	strace s4  }
0x9b: {  	s4 =	sld [smem:$0x3FFD];
	_ =	sdelay $0x3  }
0x9c: {  	_ =	strace s4  }
0x9d: {  	_ =	strace $0x8FFFFFFF  }
0x9e: {  	s19 =	sld [smem:$0x3FDB];
	_ =	sdelay $0x1  }
0x9f: {  	s5 =	simm.s32 $_scs_section_size  }
0xa0: {  	s6 =	simm.s32 $_size__tile_overlayer_lowered;
	s7 =	simm.s32 $_tile_overlayer_lowered  }
0xa1: {  	s22 =	simm.s32 $0x1BFF;
	s21 =	sshll.u32 s7, $0x1;
	s4 =	sadd.s32 s5, s19  }
0xa2: {  	s8 =	simm.s32 $0x0;
	s20 =	sshll.u32 s6, $0x1;
	s6 =	sadd.s32 s21, s4  }
0xa3: {  	[timem:s8], [sflag:s22] =	dma.local [hbm:s6], s20  }
0xa4: {  	_ =	swait.ge [sflag:s22], s20  }
0xa5: {  	s5 =	ssub.s32 $0x0, s20;
	[sflag:s22] =	ssyncset.done $0x0  }
0xa6: {  	[sflag:s22] =	ssyncadd.s32 s5;
	_ =	sdelay $0x1  }
0xa7: {  	s23 =	simm.s32 $0x1B8B  }
0xa8: {  	_ =	swait.ge [sflag:s23], $0x1  }
0xa9: {  	[sflag:s23] =	ssyncset.done $0x0  }
0xaa: {  	s25 =	simm.s32 $0x1B8E;
	s24 =	sld [smem:$0x3FFE];
	[sflag:s23] =	ssyncadd.s32 $0xFFFFFFFF  }
0xab: {  	s26 =	simm.s32 $execute0_lowered;
	[smem:$0x3FD2] =	sst s25  }
0xac: {  	s6 =	sshll.u32 s26, $0x1;
	_ =	strace $0x8000004C;
	[dreg:$0x1] =	wrdreg $0xFFFFFFFF  }
0xad: {  	s28 =	simm.s32 $_size_execute0_lowered;
	s4 =	sadd.s32 s4, s6;
	[dreg:$0x0] =	wrdreg $0x0  }
0xae: {  	s6 =	sshll.u32 s28, $0x1;
	[dreg:$0x2] =	wrdreg s4  }
0xaf: {  	[dreg:$0x3] =	wrdreg s6  }
0xb0: {  	[dreg:$0x4] =	wrdreg $0xC0  }
0xb1: {  	_ =	task [dreg:s8], $0x5FFFF  }
0xb2: {  	[dreg:$0x1] =	wrdreg $0xFFFFFFFF  }
0xb3: {  	[dreg:$0x0] =	wrdreg $0x60  }
0xb4: {  	[dreg:$0x2] =	wrdreg s24  }
0xb5: {  	[dreg:$0x3] =	wrdreg s17  }
0xb6: {  	[dreg:$0x4] =	wrdreg s16  }
0xb7: {  	[dreg:$0x5] =	wrdreg $0x9  }
0xb8: {  	_ =	task.clear_ibuf [dreg:s8], $0x6FFFF;
	_ =	strace $0x9000004C  }
0xb9: {  	s29 =	simm.s32 $0x9;
	_ =	strace $0x8000004E  }
0xba: {  	_ =	swait.ge [sflag:s29], $0x1  }
0xbb: {  	[sflag:s29] =	ssyncadd.s32 $0xFFFFFFFF  }
0xbc: {  	_ =	strace $0x9000004E  }
0xbd: {  	_ =	sfence  }
0xbe: {  	s30 =	sld [smem:$0x0];
	_ =	sdelay $0x2  }
0xbf: {  	s31 =	sshll.u32 s1, $0xD;
	s1 =	sshrl.u32 s1, $0x2  }
0xc0: {  	s3 =	sand.u32 $0x4000, s31;
	s1 =	sadd.s32 s1, s30  }
0xc1: {  	s0 =	sor.u32 s3, s0;
	s1 =	sshll.u32 s1, $0x11  }
0xc2: {  	s0 =	sor.u32 s1, s0  }
0xc3: {  	s0 =	sadd.s32 $0x8F2B, s0  }
0xc4: {  	[sflag:s0] =	ssyncadd.remote.s32 $0x1  }
0xc5: {  	_ =	sfence.sel $0xFFFF  }
0xc6: {  	[dreg:$0x0] =	wrdreg $0xFFFFFFFF;
	(pc) =	sbr.abs _section_cstart, $3  }
0xc7: {  	[dreg:$0x1] =	wrdreg $0xFFFFFFFF  }
0xc8: {  	_ =	task.clear_ibuf [dreg:s8], $0x2FFFF;
	_ =	strace $0x9FFFFFFF  }
0xc9: {  	(tm) =	ssettm $0x7FFFFFFF  }
tec
execute0_lowered:
.L_overlay_start_1:
0x0: {  	(tag) =	ssettag $0x1  }
0x1: {  	s13 =	rddreg [dreg:$0x0]  }
0x2: {  	s3 =	rddreg [dreg:$0x1]  }
0x3: {  	s12 =	rddreg [dreg:$0x2];
	s2 =	srdreg.scid  }
0x4: {  	s1 =	stileid.u32;
	s0 =	rddreg [dreg:$0x3]  }
0x5: {  	s14 =	sand.u32 $0x1, s2;
	s31 =	sshll.u32 s1, $0x5;
	s4 =	sshll.u32 s1, $0xC  }
0x6: {  	s2 =	simm.s32 $0x0;
	s5 =	sshll.u32 s14, $0x4;
	s6 =	sand.u32 $0x60, s31  }
0x7: {  	s4 =	sand.u32 $0xC000, s4;
	[smem:$0x7FF] =	sst s2;
	s5 =	sor.u32 s5, s6  }
0x8: {  	_ =	strace $0x8000004D;
	s6 =	simm.s32 $0x400;
	s15 =	sor.u32 s4, s5  }
0x9: {  	s4 =	simm.s32 $0x80;
	s5 =	simm.s32 $0x2;
	s3 =	sadd.s32 s3, s15  }
0xa: {  	[tilespmem:s2], [sflag:$0x2] =	stream.strided.gather [hbm4b:s3+s4], $0x4000, s6, s4, $0x38;
	[tilespmem:$0xC000] =	vst v63  }
0xb: {  	_ =	swait.ge [sflag:s5], $0x4000  }
0xc: {  	[sflag:s5] =	ssyncset.done $0x0  }
0xd: {  	s8 =	simm.s32 $0x4000;
	s7 =	sadd.s32 $0x1600, s13;
	[sflag:s5] =	ssyncadd.s32 $0xFFFFC000  }
0xe: {  	[tilespmem:s8], [sflag:$0x1] =	stream.indirect.gather [hbm4b:s7+s8], $0x1, s2, s8, $0xb8;
	[tilespmem:$0xC000] =	vst v63  }
0xf: {  	s10 =	simm.s32 $0x8000;
	s11 =	simm.s32 $0x1;
	s9 =	sadd.s32 $0x101600, s13  }
0x10: {  	[tilespmem:s10], [sflag:$0x1] =	stream.indirect.gather [hbm4b:s9+s8], $0x1, s2, s8, $0xb8;
	[tilespmem:$0xC000] =	vst v63  }
0x11: {  	_ =	swait.ge [sflag:s11], $0x4000  }
0x12: {  	[sflag:s11] =	ssyncset.done $0x0  }
0x13: {  	s14 =	ssub.s32 $0x2, s14;
	[sflag:s11] =	ssyncadd.s32 $0xFFFFC000  }
0x14: {  	s16 =	sshrl.u32 s14, $0x1;
	_ =	swait.ge [sflag:s11], $0x4000  }
0x15: {  	s14 =	ssub.s32 s14, s16;
	[sflag:s11] =	ssyncset.done $0x0  }
0x16: {  	s12 =	sadd.s32 s12, s15;
	s14 =	smax.u32 s14, $0x1;
	[sflag:s11] =	ssyncadd.s32 $0xFFFFC000  }
0x17: {  	[hbm4b:s12+s4] =	stream.strided.scatter [tilespmem:s8], [sflag:$0x2], $0x4000, s6, s4, $0x38;
	[tilespmem:$0xC000] =	vst v63  }
0x18: {  	p0 =	sne.s32 s14, $0x1;
	_ =	swait.ge [sflag:s5], $0x4000  }
.Ltmp0:
0x19: {  	s13 =	sadd.s32 s15, s13;
	[sflag:s5] =	ssyncset.done $0x0;
	(pc) =	sbr.rel @!p0 .LBB2_2-.Ltmp0, $4  }
0x1a: {  	s13 =	sadd.s32 $0x201600, s13;
	[sflag:s5] =	ssyncadd.s32 $0xFFFFC000  }
0x1b: {  	[hbm4b:s13+s4] =	stream.strided.scatter [tilespmem:s10], [sflag:$0x2], $0x4000, s6, s4, $0x38;
	[tilespmem:$0xC000] =	vst v63  }
0x1c: {  	_ =	swait.ge [sflag:s5], $0x4000  }
0x1d: {  	s14 =	sadd.s32 $0xFFFFFFFF, s14;
	[sflag:s5] =	ssyncset.done $0x0  }
.LBB2_1:
0x1e: {  	p0 =	sne.s32 s14, $0x1;
	s14 =	sadd.s32 $0xFFFFFFFF, s14;
	[sflag:s5] =	ssyncadd.s32 $0xFFFFC000  }
0x1f: {  	[tilespmem:s2], [sflag:$0x2] =	stream.strided.gather [hbm4b:s3+s4], $0x4000, s6, s4, $0x38;
	[tilespmem:$0xC000] =	vst v63  }
0x20: {  	_ =	swait.ge [sflag:s5], $0x4000  }
0x21: {  	[sflag:s5] =	ssyncset.done $0x0  }
0x22: {  	[sflag:s5] =	ssyncadd.s32 $0xFFFFC000  }
0x23: {  	[tilespmem:s8], [sflag:$0x1] =	stream.indirect.gather [hbm4b:s7+s8], $0x1, s2, s8, $0xb8;
	[tilespmem:$0xC000] =	vst v63  }
0x24: {  	_ = 	snop  }
0x25: {  	[tilespmem:s10], [sflag:$0x1] =	stream.indirect.gather [hbm4b:s9+s8], $0x1, s2, s8, $0xb8;
	[tilespmem:$0xC000] =	vst v63  }
0x26: {  	_ =	swait.ge [sflag:s11], $0x4000  }
0x27: {  	[sflag:s11] =	ssyncset.done $0x0  }
0x28: {  	[sflag:s11] =	ssyncadd.s32 $0xFFFFC000  }
0x29: {  	_ =	swait.ge [sflag:s11], $0x4000  }
0x2a: {  	[sflag:s11] =	ssyncset.done $0x0  }
0x2b: {  	[sflag:s11] =	ssyncadd.s32 $0xFFFFC000  }
0x2c: {  	[hbm4b:s12+s4] =	stream.strided.scatter [tilespmem:s8], [sflag:$0x2], $0x4000, s6, s4, $0x38;
	[tilespmem:$0xC000] =	vst v63  }
0x2d: {  	_ =	swait.ge [sflag:s5], $0x4000  }
.Ltmp1:
0x2e: {  	[sflag:s5] =	ssyncset.done $0x0;
	(pc) =	sbr.rel @p0 .LBB2_1-.Ltmp1, $4  }
0x2f: {  	[sflag:s5] =	ssyncadd.s32 $0xFFFFC000  }
0x30: {  	[hbm4b:s13+s4] =	stream.strided.scatter [tilespmem:s10], [sflag:$0x2], $0x4000, s6, s4, $0x38;
	[tilespmem:$0xC000] =	vst v63  }
0x31: {  	_ =	swait.ge [sflag:s5], $0x4000  }
0x32: {  	[sflag:s5] =	ssyncset.done $0x0  }
.LBB2_2:
0x33: {  	[sflag:s5] =	ssyncadd.s32 $0xFFFFC000  }
0x34: {  	_ =	sfence.sel $0x180000  }
0x35: {  	[bflag:$0x0] =	sbarrier.arrive $0xFFFF  }
0x36: {  	p0 =	sne.s32 s1, $0x0;
	_ =	strace $0x9000004D  }
0x37: {  	s0 =	sadd.s32 @!p0 $0x100000, s0;
	[bflag:$0x2] =	sbarrier.arrive $0xFFFF  }
0x38: {  	[sflag:s0] =	ssyncadd.tile.s32 @!p0 $0x1;
	_ =	shalt  }
.Lfunc_end2:
_tile_overlayer_lowered:
.L_overlay_start_2:
0x39: {  	(tag) =	ssettag $0x2  }
0x3a: {  	s0 =	rddreg [dreg:$0x0];
	s2 =	stileid.u32  }
0x3b: {  	s1 =	rddreg [dreg:$0x1];
	p0 =	sne.s32 s2, $0x0  }
0x3c: {  	s3 =	rddreg [dreg:$0x2];
	[bflag:$0x3] =	sbarrier.arrive $0xFFFF;
	s2 =	simm.s32 @!p0 $0x1C02  }
0x3d: {  	[timem:s3], [sflag:s2] =	dma.local @!p0 [hbm:s0], s1  }
0x3e: {  	s0 =	simm.s32 @!p0 $0x2  }
0x3f: {  	_ =	swait.ge @!p0 [sflag:s0], s1  }
0x40: {  	s1 =	ssub.s32 @!p0 $0x0, s1;
	[sflag:s0] =	ssyncset.done @!p0 $0x0  }
0x41: {  	[sflag:s0] =	ssyncadd.s32 @!p0 s1  }
0x42: {  	[bflag:$0x3] =	sbarrier.arrive $0xFFFF  }
0x43: {  	_ =	shalt  }

// kernel: sparse-core-data-format-call.1.cloned.1.call-start
scs
called_computation.1_lowered:
.L_overlay_start_0:
0x0: {  	s2 =	sld [smem:$0x3FD9]  }
0x1: {  	s3 =	sld [smem:$0x3FFE];
	_ =	sdelay $0x1  }
0x2: {  	s1 =	srdreg.scid  }
0x3: {  	s0 =	sand.u32 $0x1, s1  }
0x4: {  	s18 =	sshll.u32 s0, $0xA;
	s2 =	sadd.s32 s3, s2  }
0x5: {  	s2 =	sadd.s32 s2, s18  }
0x6: {  	[smem:$0x3FC2] =	sst s2  }
0x7: {  	_ = 	snop  }
0x8: {  	s2 =	sld [smem:$0x3FC9];
	(tm) =	ssettm $0x1  }
0x9: {  	s19 =	sld [smem:$0x3FFB];
	_ =	sdelay $0x3  }
0xa: {  	_ =	strace s19  }
0xb: {  	s3 =	sld [smem:$0x3FFC];
	_ =	sdelay $0x3  }
0xc: {  	_ =	strace s3  }
0xd: {  	s3 =	sld [smem:$0x3FFD];
	_ =	sdelay $0x3  }
0xe: {  	_ =	strace s3  }
0xf: {  	_ =	strace $0x8FFFFFFF  }
0x10: {  	s20 =	sld [smem:$0x3FDB];
	_ =	sdelay $0x1  }
0x11: {  	s4 =	simm.s32 $_scs_section_size  }
0x12: {  	s5 =	simm.s32 $_size__tile_overlayer_lowered;
	s6 =	simm.s32 $_tile_overlayer_lowered  }
0x13: {  	s23 =	simm.s32 $0x1BFF;
	s22 =	sshll.u32 s6, $0x1;
	s3 =	sadd.s32 s4, s20  }
0x14: {  	s7 =	simm.s32 $0x0;
	s21 =	sshll.u32 s5, $0x1;
	s5 =	sadd.s32 s22, s3  }
0x15: {  	[timem:s7], [sflag:s23] =	dma.local [hbm:s5], s21  }
0x16: {  	_ =	swait.ge [sflag:s23], s21  }
0x17: {  	s4 =	ssub.s32 $0x0, s21;
	[sflag:s23] =	ssyncset.done $0x0  }
0x18: {  	[sflag:s23] =	ssyncadd.s32 s4;
	_ =	sdelay $0x1  }
0x19: {  	s24 =	simm.s32 $0x1B8B  }
0x1a: {  	_ =	swait.ge [sflag:s24], $0x1  }
0x1b: {  	[sflag:s24] =	ssyncset.done $0x0  }
0x1c: {  	s26 =	simm.s32 $0x1B8E;
	s25 =	sld [smem:$0x3FFE];
	[sflag:s24] =	ssyncadd.s32 $0xFFFFFFFF  }
0x1d: {  	s27 =	simm.s32 $execute0_lowered;
	[smem:$0x3FD2] =	sst s26  }
0x1e: {  	s5 =	sshll.u32 s27, $0x1;
	_ =	strace $0x80000046;
	[dreg:$0x1] =	wrdreg $0xFFFFFFFF  }
0x1f: {  	s28 =	simm.s32 $_size_execute0_lowered;
	s3 =	sadd.s32 s3, s5;
	[dreg:$0x0] =	wrdreg $0x0  }
0x20: {  	s5 =	sshll.u32 s28, $0x1;
	[dreg:$0x2] =	wrdreg s3  }
0x21: {  	[dreg:$0x3] =	wrdreg s5  }
0x22: {  	[dreg:$0x4] =	wrdreg $0xC0  }
0x23: {  	_ =	task [dreg:s7], $0x5FFFF  }
0x24: {  	[dreg:$0x1] =	wrdreg $0xFFFFFFFF  }
0x25: {  	[dreg:$0x0] =	wrdreg $0x60  }
0x26: {  	[dreg:$0x2] =	wrdreg s2  }
0x27: {  	[dreg:$0x3] =	wrdreg s25  }
0x28: {  	[dreg:$0x4] =	wrdreg $0xA  }
0x29: {  	_ =	task.clear_ibuf [dreg:s7], $0x5FFFF;
	_ =	strace $0x90000046  }
0x2a: {  	s29 =	simm.s32 $0xA;
	_ =	strace $0x80000048  }
0x2b: {  	_ =	swait.ge [sflag:s29], $0x1  }
0x2c: {  	[sflag:s29] =	ssyncadd.s32 $0xFFFFFFFF  }
0x2d: {  	_ =	strace $0x90000048  }
0x2e: {  	_ =	sfence  }
0x2f: {  	s30 =	sld [smem:$0x0];
	_ =	sdelay $0x2  }
0x30: {  	s31 =	sshll.u32 s1, $0xD;
	s1 =	sshrl.u32 s1, $0x2  }
0x31: {  	s3 =	sand.u32 $0x4000, s31;
	s1 =	sadd.s32 s1, s30  }
0x32: {  	s0 =	sor.u32 s3, s0;
	s1 =	sshll.u32 s1, $0x11  }
0x33: {  	s0 =	sor.u32 s1, s0  }
0x34: {  	s0 =	sadd.s32 $0x8F2B, s0  }
0x35: {  	[sflag:s0] =	ssyncadd.remote.s32 $0x1  }
0x36: {  	_ =	sfence.sel $0xFFFF  }
0x37: {  	[dreg:$0x0] =	wrdreg $0xFFFFFFFF;
	(pc) =	sbr.abs _section_cstart, $3  }
0x38: {  	[dreg:$0x1] =	wrdreg $0xFFFFFFFF  }
0x39: {  	_ =	task.clear_ibuf [dreg:s7], $0x2FFFF;
	_ =	strace $0x9FFFFFFF  }
0x3a: {  	(tm) =	ssettm $0x7FFFFFFF  }
0x3b: {  	_ =	shalt  }
tec
execute0_lowered:
.L_overlay_start_1:
0x0: {  	(tag) =	ssettag $0x1  }
0x1: {  	s0 =	srdreg.scid  }
0x2: {  	s1 =	sshll.u32 s0, $0x4  }
0x3: {  	s2 =	rddreg [dreg:$0x0];
	s0 =	stileid.u32;
	s1 =	sand.u32 $0x10, s1  }
0x4: {  	s4 =	rddreg [dreg:$0x1];
	s7 =	simm.s32 $0x1;
	s1 =	sor.u32 s0, s1  }
0x5: {  	s8 =	simm.s32 $0x2;
	s9 =	simm.s32 $0x0;
	s3 =	sshll.u32 s1, $0x2  }
0x6: {  	s12 =	simm.s32 $0x0;
	s11 =	simm.s32 $0x0;
	s6 =	ssub.s32 $0x800, s3  }
.Ltmp0:
0x7: {  	s4 =	sadd.s32 $0x1600, s4;
	s5 =	sand.u32 $0x7C, s6;
	(pc) =	sbr.rel .LBB1_1-.Ltmp0, $4  }
0x8: {  	s1 =	rddreg [dreg:$0x2];
	_ =	strace $0x80000047;
	p0 =	sne.s32 s5, $0x0  }
0x9: {  	s6 =	sshrl.u32 s6, $0x7;
	s5 =	simm.s32 $0x1;
	s7 =	simm.s32 @!p0 $0x0  }
0xa: {  	s10 =	smov.u32 s3;
	[sflag:s5] =	ssyncpa.u1 $0x0;
	s6 =	sadd.s32 s7, s6  }
0xb: {  	[sflag:s8] =	ssyncpa.u1 $0x0;
	s8 =	simm.s32 $0x0;
	s7 =	sadd.s32 $0x1, s6  }
.LBB1_9:
0xc: {  	s14 =	sadd.s32 $0x80, s10  }
0xd: {  	p1 =	sgt.s32 s14, $0x7FF  }
0xe: {  	s14 =	smov.u32 @p1 s3;
	p1 =	sne.s32 s11, s7  }
.Ltmp1:
0xf: {  	p0 =	slt.u32 s11, $0x2;
	(pc) =	sbr.rel @!p1 .LBB1_10-.Ltmp1, $4  }
0x10: {  	s13 =	simm.s32 @!p0 $0x2  }
0x11: {  	s15 =	sadd.s32 $0x1, s11;
	_ =	swait.ge @!p0 [sflag:s13], $0x4000  }
0x12: {  	s12 =	smov.u32 s10;
	s9 =	sadd.s32 $0x4000, s9;
	[sflag:s13] =	ssyncset.done @!p0 $0x0  }
0x13: {  	s11 =	smov.u32 s15;
	s10 =	smov.u32 s14;
	[sflag:s13] =	ssyncadd.s32 @!p0 $0xFFFFC000  }
.LBB1_1:
0x14: {  	p0 =	sge.u32 s11, s6  }
0x15: {  	s13 =	sxor.u32 @!p0 $0xFFFFFFFF, s11  }
0x16: {  	s31 =	sadd.s32 $0xFFFFFFFF, s11;
	s14 =	sshll.u32 @!p0 s10, $0x9;
	s13 =	sshll.u32 @!p0 s13, $0xE  }
0x17: {  	s15 =	simm.s32 @!p0 $0x0;
	s14 =	sadd.s32 @!p0 s2, s14;
	s13 =	sand.u32 @!p0 $0x4000, s13  }
0x18: {  	[tilespmem:s13], [sflag:$0x1] =	stream.linear.gather @!p0 [hbm4b:s14+s15], $0x4000, $0x38;
	[tilespmem:$0x10000] =	vst v63  }
0x19: {  	p0 =	sge.u32 s31, s6  }
.Ltmp2:
0x1a: {  	_ = 	snop;
	(pc) =	sbr.rel @p0 .LBB1_9-.Ltmp2, $1  }
0x1b: {  	_ =	sdelay $0x3  }
0x1c: {  	s14 =	sand.u32 $0x4000, s9  }
0x1d: {  	_ =	swait.ge [sflag:s5], $0x4000;
	s15 =	sshll.u32 s11, $0xE;
	s16 =	simm.s32 $0x0  }
0x1e: {  	s13 =	sor.u32 $0x40, s14;
	[sflag:s5] =	ssyncset.done $0x0;
	s15 =	sand.u32 $0x4000, s15  }
0x1f: {  	s14 =	sor.u32 $0x8040, s14;
	[sflag:s5] =	ssyncadd.s32 $0xFFFFC000;
	s15 =	sor.u32 $0x8000, s15  }
.LBB1_3:
0x20: {  	s17 =	smov.u32 s14;
	s18 =	smov.u32 s13;
	s19 =	simm.s32 $0x0  }
.LBB1_4:
0x21: {  	v0 =	vmov s17;
	v2 =	vld [tilespmem:s18+$0x30]  }
0x22: {  	v4 =	vld [tilespmem:s18+$0xFFFFFFD0]  }
0x23: {  	v6 =	vld [tilespmem:s18+$0xFFFFFFE0]  }
0x24: {  	v7 =	vld [tilespmem:s18+$0xFFFFFFF0]  }
0x25: {  	s20 =	simm.s32 $0x0;
	v1 =	vld [tilespmem:s18+$0x0]  }
0x26: {  	v3 =	vld [tilespmem:s18+$0x10];
	[tilespmem:v0+s20+$0x30 ss:$0x1] =	vst.idx.msk $0xffff, v2  }
0x27: {  	v5 =	vld [tilespmem:s18+$0x20];
	[tilespmem:v0+s20+$0xFFFFFFD0 ss:$0x1] =	vst.idx.msk $0xffff, v4  }
0x28: {  	s21 =	sadd.s32 $0x80, s18;
	v2 =	vld [tilespmem:s18+$0xFFFFFFC0];
	[tilespmem:v0+s20+$0xFFFFFFE0 ss:$0x1] =	vst.idx.msk $0xffff, v6  }
0x29: {  	s22 =	simm.s32 $0x800;
	s23 =	simm.s32 $0x1000;
	v4 =	vld [tilespmem:s21+$0x30];
	[tilespmem:v0+s20+$0xFFFFFFF0 ss:$0x1] =	vst.idx.msk $0xffff, v7  }
.LBB1_5:
0x2a: {  	p0 =	sne.s32 s23, $0x3800;
	v6 =	vld [tilespmem:s21+$0xFFFFFFD0];
	[tilespmem:v0+s20+$0x0 ss:$0x1] =	vst.idx.msk $0xffff, v1  }
0x2b: {  	v7 =	vld [tilespmem:s21+$0xFFFFFFE0];
	[tilespmem:v0+s20+$0x10 ss:$0x1] =	vst.idx.msk $0xffff, v3  }
0x2c: {  	v8 =	vld [tilespmem:s21+$0xFFFFFFF0];
	[tilespmem:v0+s20+$0x20 ss:$0x1] =	vst.idx.msk $0xffff, v5  }
.Ltmp3:
0x2d: {  	v1 =	vld [tilespmem:s21+$0x0];
	[tilespmem:v0+s20+$0xFFFFFFC0 ss:$0x1] =	vst.idx.msk $0xffff, v2;
	s20 =	sshra.s32 s22, $0x2;
	s22 =	smov.u32 s23;
	(pc) =	sbr.rel @p0 .LBB1_5-.Ltmp3, $4  }
0x2e: {  	v3 =	vld [tilespmem:s21+$0x10];
	[tilespmem:v0+s20+$0x30 ss:$0x1] =	vst.idx.msk $0xffff, v4  }
0x2f: {  	[tilespmem:v0+s20+$0xFFFFFFD0 ss:$0x1] =	vst.idx.msk $0xffff, v6;
	v5 =	vld [tilespmem:s21+$0x20]  }
0x30: {  	v2 =	vld [tilespmem:s21+$0xFFFFFFC0];
	[tilespmem:v0+s20+$0xFFFFFFE0 ss:$0x1] =	vst.idx.msk $0xffff, v7;
	s21 =	sadd.s32 $0x80, s21  }
0x31: {  	s23 =	sadd.s32 $0x800, s23;
	v4 =	vld [tilespmem:s21+$0x30];
	[tilespmem:v0+s20+$0xFFFFFFF0 ss:$0x1] =	vst.idx.msk $0xffff, v8  }
0x32: {  	_ =	sdelay $0x3  }
0x33: {  	v6 =	vld [tilespmem:s21+$0xFFFFFFD0];
	[tilespmem:v0+s20+$0x0 ss:$0x1] =	vst.idx.msk $0xffff, v1  }
0x34: {  	v58 =	vld [tilespmem:s21+$0xFFFFFFE0];
	[tilespmem:v0+s20+$0x10 ss:$0x1] =	vst.idx.msk $0xffff, v3  }
0x35: {  	v59 =	vld [tilespmem:s21+$0xFFFFFFF0];
	[tilespmem:v0+s20+$0x20 ss:$0x1] =	vst.idx.msk $0xffff, v5  }
0x36: {  	s22 =	sshra.s32 s22, $0x2;
	v60 =	vld [tilespmem:s21+$0x0];
	[tilespmem:v0+s20+$0xFFFFFFC0 ss:$0x1] =	vst.idx.msk $0xffff, v2  }
0x37: {  	v61 =	vld [tilespmem:s21+$0x10];
	[tilespmem:v0+s22+$0x30 ss:$0x1] =	vst.idx.msk $0xffff, v4  }
0x38: {  	v62 =	vld [tilespmem:s21+$0x20];
	s19 =	sadd.s32 $0x1, s19;
	[tilespmem:v0+s22+$0xFFFFFFD0 ss:$0x1] =	vst.idx.msk $0xffff, v6  }
0x39: {  	v63 =	vld [tilespmem:s21+$0xFFFFFFC0];
	p0 =	sne.s32 s19, $0x4;
	[tilespmem:v0+s22+$0xFFFFFFE0 ss:$0x1] =	vst.idx.msk $0xffff, v58  }
.Ltmp4:
0x3a: {  	[tilespmem:v0+s22+$0xFFFFFFF0 ss:$0x1] =	vst.idx.msk $0xffff, v59;
	(pc) =	sbr.rel @p0 .LBB1_4-.Ltmp4, $4  }
0x3b: {  	[tilespmem:v0+s22+$0x0 ss:$0x1] =	vst.idx.msk $0xffff, v60  }
0x3c: {  	[tilespmem:v0+s22+$0x10 ss:$0x1] =	vst.idx.msk $0xffff, v61  }
0x3d: {  	[tilespmem:v0+s22+$0x20 ss:$0x1] =	vst.idx.msk $0xffff, v62  }
0x3e: {  	s18 =	sadd.s32 $0x400, s18;
	s17 =	sadd.s32 $0x80, s17;
	[tilespmem:v0+s22+$0xFFFFFFC0 ss:$0x1] =	vst.idx.msk $0xffff, v63  }
0x3f: {  	s16 =	sadd.s32 $0x1, s16  }
0x40: {  	p0 =	sne.s32 s16, $0x4  }
.Ltmp5:
0x41: {  	_ = 	snop;
	(pc) =	sbr.rel @p0 .LBB1_3-.Ltmp5, $2  }
0x42: {  	_ =	sdelay $0x2  }
0x43: {  	s13 =	sadd.s32 $0x1000, s13;
	s14 =	sadd.s32 $0x1000, s14  }
.Ltmp6:
0x44: {  	(pc) =	sbr.rel .LBB1_9-.Ltmp6, $4  }
0x45: {  	_ = 	snop  }
0x46: {  	s12 =	sshll.u32 s12, $0x9  }
0x47: {  	s12 =	sadd.s32 s4, s12  }
0x48: {  	[hbm4b:s12+s8] =	stream.linear.scatter [tilespmem:s15], [sflag:$0x2], $0x4000, $0x38;
	[tilespmem:$0x10000] =	vst v63  }
.LBB1_10:
0x49: {  	_ =	sfence.sel $0x180000  }
0x4a: {  	s2 =	simm.s32 $0x1;
	[bflag:$0x0] =	sbarrier.arrive $0xFFFF  }
0x4b: {  	s31 =	simm.s32 $0x2;
	[sflag:s2] =	ssyncpa.u1 $0x1  }
0x4c: {  	[sflag:s31] =	ssyncpa.u1 $0x1  }
0x4d: {  	p0 =	sne.s32 s0, $0x0;
	_ =	strace $0x90000047  }
0x4e: {  	s0 =	sadd.s32 @!p0 $0x100000, s1;
	[bflag:$0x2] =	sbarrier.arrive $0xFFFF  }
0x4f: {  	[sflag:s0] =	ssyncadd.tile.s32 @!p0 $0x1;
	_ =	shalt  }
.Lfunc_end1:
_tile_overlayer_lowered:
.L_overlay_start_2:
0x50: {  	(tag) =	ssettag $0x2  }
0x51: {  	s0 =	rddreg [dreg:$0x0];
	s2 =	stileid.u32  }
0x52: {  	s1 =	rddreg [dreg:$0x1];
	p0 =	sne.s32 s2, $0x0  }
0x53: {  	s3 =	rddreg [dreg:$0x2];
	[bflag:$0x3] =	sbarrier.arrive $0xFFFF;
	s2 =	simm.s32 @!p0 $0x1C01  }
0x54: {  	[timem:s3], [sflag:s2] =	dma.local @!p0 [hbm:s0], s1  }
0x55: {  	s0 =	simm.s32 @!p0 $0x1  }
0x56: {  	_ =	swait.ge @!p0 [sflag:s0], s1  }
0x57: {  	s1 =	ssub.s32 @!p0 $0x0, s1;
	[sflag:s0] =	ssyncset.done @!p0 $0x0  }
0x58: {  	[sflag:s0] =	ssyncadd.s32 @!p0 s1  }
0x59: {  	[bflag:$0x3] =	sbarrier.arrive $0xFFFF  }
0x5a: {  	_ =	shalt  }

// kernel: sparse-core-data-format-call.cloned.1.call-start
scs
called_computation_lowered:
.L_overlay_start_0:
0x0: {  	s2 =	sld [smem:$0x3FD9]  }
0x1: {  	s3 =	sld [smem:$0x3FFE];
	_ =	sdelay $0x1  }
0x2: {  	s1 =	srdreg.scid  }
0x3: {  	s0 =	sand.u32 $0x1, s1  }
0x4: {  	s18 =	sshll.u32 s0, $0xA;
	s2 =	sadd.s32 s3, s2  }
0x5: {  	s2 =	sadd.s32 s2, s18  }
0x6: {  	[smem:$0x3FC2] =	sst s2  }
0x7: {  	_ = 	snop  }
0x8: {  	s19 =	sld [smem:$0x3FC8];
	(tm) =	ssettm $0x1  }
0x9: {  	s20 =	sld [smem:$0x3FFB];
	_ =	sdelay $0x3  }
0xa: {  	_ =	strace s20  }
0xb: {  	s2 =	sld [smem:$0x3FFC];
	_ =	sdelay $0x3  }
0xc: {  	_ =	strace s2  }
0xd: {  	s2 =	sld [smem:$0x3FFD];
	_ =	sdelay $0x3  }
0xe: {  	_ =	strace s2  }
0xf: {  	_ =	strace $0x8FFFFFFF  }
0x10: {  	s21 =	sld [smem:$0x3FDB];
	_ =	sdelay $0x1  }
0x11: {  	s4 =	simm.s32 $_scs_section_size  }
0x12: {  	s5 =	simm.s32 $_size__tile_overlayer_lowered;
	s6 =	simm.s32 $_tile_overlayer_lowered  }
0x13: {  	s7 =	simm.s32 $0x1BFF;
	s22 =	sshll.u32 s6, $0x1;
	s4 =	sadd.s32 s4, s21  }
0x14: {  	s23 =	simm.s32 $0x0;
	s5 =	sshll.u32 s5, $0x1;
	s6 =	sadd.s32 s22, s4  }
0x15: {  	[timem:s23], [sflag:s7] =	dma.local [hbm:s6], s5  }
0x16: {  	_ =	swait.ge [sflag:s7], s5  }
0x17: {  	s5 =	ssub.s32 $0x0, s5;
	[sflag:s7] =	ssyncset.done $0x0  }
0x18: {  	[sflag:s7] =	ssyncadd.s32 s5;
	_ =	sdelay $0x1  }
0x19: {  	s24 =	simm.s32 $0x1B8B  }
0x1a: {  	_ =	swait.ge [sflag:s24], $0x1  }
0x1b: {  	[sflag:s24] =	ssyncset.done $0x0  }
0x1c: {  	[sflag:s24] =	ssyncadd.s32 $0xFFFFFFFF  }
0x1d: {  	s5 =	sld [smem:$0x0]  }
0x1e: {  	s6 =	sand.u32 $0xFFFFFFFE, s1  }
0x1f: {  	p0 =	sne.s32 s1, s6  }
0x20: {  	s6 =	sshll.u32 @p0 s6, $0xE  }
0x21: {  	s6 =	sadd.s32 @p0 $0x11B8D, s6;
	s7 =	sshll.u32 @p0 s5, $0x11  }
0x22: {  	s6 =	sor.u32 @p0 s7, s6  }
0x23: {  	[sflag:s6] =	ssyncadd.remote.s32 @p0 $0x1;
	_ =	sdelay $0x1  }
0x24: {  	s6 =	simm.s32 @p0 $0x1B8D  }
0x25: {  	_ =	swait.eq @p0 [sflag:s6], $0x1  }
0x26: {  	[sflag:s6] =	ssyncadd.s32 @p0 $0xFFFFFFFF  }
0x27: {  	s7 =	sshll.u32 @!p0 s1, $0xE  }
0x28: {  	s7 =	sor.u32 @!p0 $0x4000, s7;
	s6 =	simm.s32 @!p0 $0x1B8D  }
0x29: {  	s5 =	sshll.u32 @!p0 s5, $0x11;
	s7 =	sadd.s32 @!p0 $0x11B8D, s7;
	_ =	swait.eq @!p0 [sflag:s6], $0x1  }
0x2a: {  	s5 =	sor.u32 @!p0 s5, s7;
	[sflag:s6] =	ssyncadd.s32 @!p0 $0xFFFFFFFF  }
0x2b: {  	s26 =	simm.s32 $0x1B8E;
	s25 =	sld [smem:$0x3FFE];
	[sflag:s5] =	ssyncadd.remote.s32 @!p0 $0x1  }
0x2c: {  	s27 =	simm.s32 $execute0_lowered;
	[smem:$0x3FD2] =	sst s26  }
0x2d: {  	s6 =	sshll.u32 s27, $0x1;
	_ =	strace $0x80000049;
	[dreg:$0x1] =	wrdreg $0xFFFFFFFF  }
0x2e: {  	s28 =	simm.s32 $_size_execute0_lowered;
	s4 =	sadd.s32 s4, s6;
	[dreg:$0x0] =	wrdreg $0x0  }
0x2f: {  	s6 =	sshll.u32 s28, $0x1;
	[dreg:$0x2] =	wrdreg s4  }
0x30: {  	[dreg:$0x3] =	wrdreg s6  }
0x31: {  	[dreg:$0x4] =	wrdreg $0xC0  }
0x32: {  	_ =	task [dreg:s23], $0x5FFFF  }
0x33: {  	[dreg:$0x1] =	wrdreg $0xFFFFFFFF  }
0x34: {  	[dreg:$0x0] =	wrdreg $0x60  }
0x35: {  	[dreg:$0x2] =	wrdreg s19  }
0x36: {  	[dreg:$0x3] =	wrdreg s25  }
0x37: {  	[dreg:$0x4] =	wrdreg $0x9  }
0x38: {  	_ =	task.clear_ibuf [dreg:s23], $0x5FFFF;
	_ =	strace $0x90000049  }
0x39: {  	s29 =	simm.s32 $0x9;
	_ =	strace $0x8000004B  }
0x3a: {  	_ =	swait.ge [sflag:s29], $0x1  }
0x3b: {  	[sflag:s29] =	ssyncadd.s32 $0xFFFFFFFF  }
0x3c: {  	_ =	strace $0x9000004B  }
0x3d: {  	_ =	sfence  }
0x3e: {  	s30 =	sld [smem:$0x0];
	_ =	sdelay $0x2  }
0x3f: {  	s31 =	sshll.u32 s1, $0xD;
	s1 =	sshrl.u32 s1, $0x2  }
0x40: {  	s4 =	sand.u32 $0x4000, s31;
	s1 =	sadd.s32 s1, s30  }
0x41: {  	s0 =	sor.u32 s4, s0;
	s1 =	sshll.u32 s1, $0x11  }
0x42: {  	s0 =	sor.u32 s1, s0  }
0x43: {  	s0 =	sadd.s32 $0x8F2B, s0  }
0x44: {  	[sflag:s0] =	ssyncadd.remote.s32 $0x1  }
0x45: {  	_ =	sfence.sel $0xFFFF  }
0x46: {  	[dreg:$0x0] =	wrdreg $0xFFFFFFFF;
	(pc) =	sbr.abs _section_cstart, $3  }
0x47: {  	[dreg:$0x1] =	wrdreg $0xFFFFFFFF  }
0x48: {  	_ =	task.clear_ibuf [dreg:s23], $0x2FFFF;
	_ =	strace $0x9FFFFFFF  }
0x49: {  	(tm) =	ssettm $0x7FFFFFFF  }
tec
execute0_lowered:
.L_overlay_start_1:
0x0: {  	(tag) =	ssettag $0x1  }
0x1: {  	s0 =	srdreg.scid  }
0x2: {  	s1 =	sshll.u32 s0, $0x4  }
0x3: {  	s2 =	rddreg [dreg:$0x0];
	s0 =	stileid.u32;
	s1 =	sand.u32 $0x10, s1  }
0x4: {  	s4 =	rddreg [dreg:$0x1];
	s7 =	simm.s32 $0x1;
	s1 =	sor.u32 s0, s1  }
0x5: {  	s8 =	simm.s32 $0x2;
	s9 =	simm.s32 $0x0;
	s3 =	sshll.u32 s1, $0x2  }
0x6: {  	s12 =	simm.s32 $0x0;
	s11 =	simm.s32 $0x0;
	s6 =	ssub.s32 $0x800, s3  }
.Ltmp0:
0x7: {  	s4 =	sadd.s32 $0x101600, s4;
	s5 =	sand.u32 $0x7C, s6;
	(pc) =	sbr.rel .LBB1_1-.Ltmp0, $4  }
0x8: {  	s1 =	rddreg [dreg:$0x2];
	_ =	strace $0x8000004A;
	p0 =	sne.s32 s5, $0x0  }
0x9: {  	s6 =	sshrl.u32 s6, $0x7;
	s5 =	simm.s32 $0x1;
	s7 =	simm.s32 @!p0 $0x0  }
0xa: {  	s10 =	smov.u32 s3;
	[sflag:s5] =	ssyncpa.u1 $0x0;
	s6 =	sadd.s32 s7, s6  }
0xb: {  	[sflag:s8] =	ssyncpa.u1 $0x0;
	s8 =	simm.s32 $0x0;
	s7 =	sadd.s32 $0x1, s6  }
.LBB1_9:
0xc: {  	s14 =	sadd.s32 $0x80, s10  }
0xd: {  	p1 =	sgt.s32 s14, $0x7FF  }
0xe: {  	s14 =	smov.u32 @p1 s3;
	p1 =	sne.s32 s11, s7  }
.Ltmp1:
0xf: {  	p0 =	slt.u32 s11, $0x2;
	(pc) =	sbr.rel @!p1 .LBB1_10-.Ltmp1, $4  }
0x10: {  	s13 =	simm.s32 @!p0 $0x2  }
0x11: {  	s15 =	sadd.s32 $0x1, s11;
	_ =	swait.ge @!p0 [sflag:s13], $0x4000  }
0x12: {  	s12 =	smov.u32 s10;
	s9 =	sadd.s32 $0x4000, s9;
	[sflag:s13] =	ssyncset.done @!p0 $0x0  }
0x13: {  	s11 =	smov.u32 s15;
	s10 =	smov.u32 s14;
	[sflag:s13] =	ssyncadd.s32 @!p0 $0xFFFFC000  }
.LBB1_1:
0x14: {  	p0 =	sge.u32 s11, s6  }
0x15: {  	s13 =	sxor.u32 @!p0 $0xFFFFFFFF, s11  }
0x16: {  	s31 =	sadd.s32 $0xFFFFFFFF, s11;
	s14 =	sshll.u32 @!p0 s10, $0x9;
	s13 =	sshll.u32 @!p0 s13, $0xE  }
0x17: {  	s15 =	simm.s32 @!p0 $0x0;
	s14 =	sadd.s32 @!p0 s2, s14;
	s13 =	sand.u32 @!p0 $0x4000, s13  }
0x18: {  	[tilespmem:s13], [sflag:$0x1] =	stream.linear.gather @!p0 [hbm4b:s14+s15], $0x4000, $0x38;
	[tilespmem:$0x10000] =	vst v63  }
0x19: {  	p0 =	sge.u32 s31, s6  }
.Ltmp2:
0x1a: {  	_ = 	snop;
	(pc) =	sbr.rel @p0 .LBB1_9-.Ltmp2, $1  }
0x1b: {  	_ =	sdelay $0x3  }
0x1c: {  	s14 =	sand.u32 $0x4000, s9  }
0x1d: {  	_ =	swait.ge [sflag:s5], $0x4000;
	s15 =	sshll.u32 s11, $0xE;
	s16 =	simm.s32 $0x0  }
0x1e: {  	s13 =	sor.u32 $0x40, s14;
	[sflag:s5] =	ssyncset.done $0x0;
	s15 =	sand.u32 $0x4000, s15  }
0x1f: {  	s14 =	sor.u32 $0x8040, s14;
	[sflag:s5] =	ssyncadd.s32 $0xFFFFC000;
	s15 =	sor.u32 $0x8000, s15  }
.LBB1_3:
0x20: {  	s17 =	smov.u32 s14;
	s18 =	smov.u32 s13;
	s19 =	simm.s32 $0x0  }
.LBB1_4:
0x21: {  	v0 =	vmov s17;
	v2 =	vld [tilespmem:s18+$0x30]  }
0x22: {  	v4 =	vld [tilespmem:s18+$0xFFFFFFD0]  }
0x23: {  	v6 =	vld [tilespmem:s18+$0xFFFFFFE0]  }
0x24: {  	v7 =	vld [tilespmem:s18+$0xFFFFFFF0]  }
0x25: {  	s20 =	simm.s32 $0x0;
	v1 =	vld [tilespmem:s18+$0x0]  }
0x26: {  	v3 =	vld [tilespmem:s18+$0x10];
	[tilespmem:v0+s20+$0x30 ss:$0x1] =	vst.idx.msk $0xffff, v2  }
0x27: {  	v5 =	vld [tilespmem:s18+$0x20];
	[tilespmem:v0+s20+$0xFFFFFFD0 ss:$0x1] =	vst.idx.msk $0xffff, v4  }
0x28: {  	s21 =	sadd.s32 $0x80, s18;
	v2 =	vld [tilespmem:s18+$0xFFFFFFC0];
	[tilespmem:v0+s20+$0xFFFFFFE0 ss:$0x1] =	vst.idx.msk $0xffff, v6  }
0x29: {  	s22 =	simm.s32 $0x800;
	s23 =	simm.s32 $0x1000;
	v4 =	vld [tilespmem:s21+$0x30];
	[tilespmem:v0+s20+$0xFFFFFFF0 ss:$0x1] =	vst.idx.msk $0xffff, v7  }
.LBB1_5:
0x2a: {  	p0 =	sne.s32 s23, $0x3800;
	v6 =	vld [tilespmem:s21+$0xFFFFFFD0];
	[tilespmem:v0+s20+$0x0 ss:$0x1] =	vst.idx.msk $0xffff, v1  }
0x2b: {  	v7 =	vld [tilespmem:s21+$0xFFFFFFE0];
	[tilespmem:v0+s20+$0x10 ss:$0x1] =	vst.idx.msk $0xffff, v3  }
0x2c: {  	v8 =	vld [tilespmem:s21+$0xFFFFFFF0];
	[tilespmem:v0+s20+$0x20 ss:$0x1] =	vst.idx.msk $0xffff, v5  }
.Ltmp3:
0x2d: {  	v1 =	vld [tilespmem:s21+$0x0];
	[tilespmem:v0+s20+$0xFFFFFFC0 ss:$0x1] =	vst.idx.msk $0xffff, v2;
	s20 =	sshra.s32 s22, $0x2;
	s22 =	smov.u32 s23;
	(pc) =	sbr.rel @p0 .LBB1_5-.Ltmp3, $4  }
0x2e: {  	v3 =	vld [tilespmem:s21+$0x10];
	[tilespmem:v0+s20+$0x30 ss:$0x1] =	vst.idx.msk $0xffff, v4  }
0x2f: {  	[tilespmem:v0+s20+$0xFFFFFFD0 ss:$0x1] =	vst.idx.msk $0xffff, v6;
	v5 =	vld [tilespmem:s21+$0x20]  }
0x30: {  	v2 =	vld [tilespmem:s21+$0xFFFFFFC0];
	[tilespmem:v0+s20+$0xFFFFFFE0 ss:$0x1] =	vst.idx.msk $0xffff, v7;
	s21 =	sadd.s32 $0x80, s21  }
0x31: {  	s23 =	sadd.s32 $0x800, s23;
	v4 =	vld [tilespmem:s21+$0x30];
	[tilespmem:v0+s20+$0xFFFFFFF0 ss:$0x1] =	vst.idx.msk $0xffff, v8  }
0x32: {  	_ =	sdelay $0x3  }
0x33: {  	v6 =	vld [tilespmem:s21+$0xFFFFFFD0];
	[tilespmem:v0+s20+$0x0 ss:$0x1] =	vst.idx.msk $0xffff, v1  }
0x34: {  	v58 =	vld [tilespmem:s21+$0xFFFFFFE0];
	[tilespmem:v0+s20+$0x10 ss:$0x1] =	vst.idx.msk $0xffff, v3  }
0x35: {  	v59 =	vld [tilespmem:s21+$0xFFFFFFF0];
	[tilespmem:v0+s20+$0x20 ss:$0x1] =	vst.idx.msk $0xffff, v5  }
0x36: {  	s22 =	sshra.s32 s22, $0x2;
	v60 =	vld [tilespmem:s21+$0x0];
	[tilespmem:v0+s20+$0xFFFFFFC0 ss:$0x1] =	vst.idx.msk $0xffff, v2  }
0x37: {  	v61 =	vld [tilespmem:s21+$0x10];
	[tilespmem:v0+s22+$0x30 ss:$0x1] =	vst.idx.msk $0xffff, v4  }
0x38: {  	v62 =	vld [tilespmem:s21+$0x20];
	s19 =	sadd.s32 $0x1, s19;
	[tilespmem:v0+s22+$0xFFFFFFD0 ss:$0x1] =	vst.idx.msk $0xffff, v6  }
0x39: {  	v63 =	vld [tilespmem:s21+$0xFFFFFFC0];
	p0 =	sne.s32 s19, $0x4;
	[tilespmem:v0+s22+$0xFFFFFFE0 ss:$0x1] =	vst.idx.msk $0xffff, v58  }
.Ltmp4:
0x3a: {  	[tilespmem:v0+s22+$0xFFFFFFF0 ss:$0x1] =	vst.idx.msk $0xffff, v59;
	(pc) =	sbr.rel @p0 .LBB1_4-.Ltmp4, $4  }
0x3b: {  	[tilespmem:v0+s22+$0x0 ss:$0x1] =	vst.idx.msk $0xffff, v60  }
0x3c: {  	[tilespmem:v0+s22+$0x10 ss:$0x1] =	vst.idx.msk $0xffff, v61  }
0x3d: {  	[tilespmem:v0+s22+$0x20 ss:$0x1] =	vst.idx.msk $0xffff, v62  }
0x3e: {  	s18 =	sadd.s32 $0x400, s18;
	s17 =	sadd.s32 $0x80, s17;
	[tilespmem:v0+s22+$0xFFFFFFC0 ss:$0x1] =	vst.idx.msk $0xffff, v63  }
0x3f: {  	s16 =	sadd.s32 $0x1, s16  }
0x40: {  	p0 =	sne.s32 s16, $0x4  }
.Ltmp5:
0x41: {  	_ = 	snop;
	(pc) =	sbr.rel @p0 .LBB1_3-.Ltmp5, $2  }
0x42: {  	_ =	sdelay $0x2  }
0x43: {  	s13 =	sadd.s32 $0x1000, s13;
	s14 =	sadd.s32 $0x1000, s14  }
.Ltmp6:
0x44: {  	(pc) =	sbr.rel .LBB1_9-.Ltmp6, $4  }
0x45: {  	_ = 	snop  }
0x46: {  	s12 =	sshll.u32 s12, $0x9  }
0x47: {  	s12 =	sadd.s32 s4, s12  }
0x48: {  	[hbm4b:s12+s8] =	stream.linear.scatter [tilespmem:s15], [sflag:$0x2], $0x4000, $0x38;
	[tilespmem:$0x10000] =	vst v63  }
.LBB1_10:
0x49: {  	_ =	sfence.sel $0x180000  }
0x4a: {  	s2 =	simm.s32 $0x1;
	[bflag:$0x0] =	sbarrier.arrive $0xFFFF  }
0x4b: {  	s31 =	simm.s32 $0x2;
	[sflag:s2] =	ssyncpa.u1 $0x1  }
0x4c: {  	[sflag:s31] =	ssyncpa.u1 $0x1  }
0x4d: {  	p0 =	sne.s32 s0, $0x0;
	_ =	strace $0x9000004A  }
0x4e: {  	s0 =	sadd.s32 @!p0 $0x100000, s1;
	[bflag:$0x2] =	sbarrier.arrive $0xFFFF  }
0x4f: {  	[sflag:s0] =	ssyncadd.tile.s32 @!p0 $0x1;
	_ =	shalt  }
.Lfunc_end1:
_tile_overlayer_lowered:
.L_overlay_start_2:
0x50: {  	(tag) =	ssettag $0x2  }
0x51: {  	s0 =	rddreg [dreg:$0x0];
	s2 =	stileid.u32  }
0x52: {  	s1 =	rddreg [dreg:$0x1];
	p0 =	sne.s32 s2, $0x0  }
0x53: {  	s3 =	rddreg [dreg:$0x2];
	[bflag:$0x3] =	sbarrier.arrive $0xFFFF;
	s2 =	simm.s32 @!p0 $0x1C01  }
0x54: {  	[timem:s3], [sflag:s2] =	dma.local @!p0 [hbm:s0], s1  }
0x55: {  	s0 =	simm.s32 @!p0 $0x1  }
0x56: {  	_ =	swait.ge @!p0 [sflag:s0], s1  }
0x57: {  	s1 =	ssub.s32 @!p0 $0x0, s1;
	[sflag:s0] =	ssyncset.done @!p0 $0x0  }
0x58: {  	[sflag:s0] =	ssyncadd.s32 @!p0 s1  }
0x59: {  	[bflag:$0x3] =	sbarrier.arrive $0xFFFF  }
0x5a: {  	_ =	shalt  }

</sc_bundles>
